<compile_context>
chip_gen: v7x
topology: tpu7x:2x2x1
jax: 0.10.2.dev20260603
libtpu: 0.0.44.dev20260713+nightly
codegen_flags: <defaults>
</compile_context>

<pallas_src>
import functools

import jax
import jax.numpy as jnp
from jax import lax
from jax.experimental import pallas as pl
from jax.experimental.pallas import tpu as pltpu
from jax.experimental.pallas import tpu_sc as plsc

B = 4096
H = 50
D = 64
L = 16
NC = 2
NS = 16
NW = NC * NS
RPW = B // NW


def _body(idsT_hbm, table_hbm, out_hbm, idxT_v, acc_v, sem, ids_sem):
    wid = lax.axis_index("s") * NC + lax.axis_index("c")
    base = wid * RPW

    ids_cp = pltpu.make_async_copy(
        idsT_hbm.at[:, pl.ds(base, RPW)], idxT_v, ids_sem
    )
    ids_cp.start()

    zero = jnp.zeros((L,), jnp.float32)

    def zbody(i, _):
        for d in range(D // L):
            acc_v[i, pl.ds(d * L, L)] = zero
        return 0

    lax.fori_loop(0, RPW, zbody, 0)
    ids_cp.wait()

    copies = [
        pltpu.async_copy(table_hbm.at[idxT_v.at[h]], acc_v, sem, add=True)
        for h in range(H)
    ]
    for c in copies:
        c.wait()

    pltpu.sync_copy(acc_v, out_hbm.at[pl.ds(base, RPW)])


_embed_pool = functools.partial(
    pl.kernel,
    out_type=jax.ShapeDtypeStruct((B, D), jnp.float32),
    mesh=plsc.VectorSubcoreMesh(core_axis_name="c", subcore_axis_name="s"),
    scratch_types=[
        pltpu.VMEM((H, RPW), jnp.int32),
        pltpu.VMEM((RPW, D), jnp.float32),
        pltpu.SemaphoreType.DMA,
        pltpu.SemaphoreType.DMA,
    ],
    compiler_params=pltpu.CompilerParams(
        use_tc_tiling_on_sc=False, needs_layout_passes=False
    ),
)(_body)


def kernel(ids, table):
    return _embed_pool(ids.astype(jnp.int32).T, table)

# --- scband reference (transcript-rebuilt; emitter-appended) ---
"""Pipeline reference for scband-embedding-84559316124392 (READ-ONLY COPY).

The authoritative reference and input builder live on the scoring server;
editing this copy changes nothing except your own understanding.
"""

import jax, jax.numpy as jnp
import numpy as np

VOCAB = 100000
EMBED = 64
BATCH = 4096
HIST = 50

def setup_inputs(seed: int = 0) -> dict:
    key = jax.random.key(seed)
    k_ids, k_tab = jax.random.split(key)
    ids = jax.random.randint(k_ids, (BATCH, HIST), 0, VOCAB)
    table = jax.random.normal(k_tab, (VOCAB, EMBED), dtype=jnp.float32) * 0.05
    return {"ids": ids, "table": table}

def reference(ids, table):
    # Stage 1: dynamic embedding lookup -> shape (batch, hist, embed)
    lookup_result = jnp.take(table, ids, axis=0)
    # Stage 2: reduce_pooling with combiner='sum': reduce all middle dims
    # ndims==3 -> one reduction over axis 1 -> (batch, embed)
    embedding = jnp.sum(lookup_result, axis=1)
    return embedding

if __name__ == "__main__":
    import jax
    _d = setup_inputs()
    print(jax.jit(kernel)(*tuple(_d.values())))

</pallas_src>

<mosaic_0001>
#map = affine_map<(d0, d1) -> (0, 0)>
module attributes {stable_mosaic.version = 14 : i64} {
  func.func @_body(%arg0: i32, %arg1: i32, %arg2: memref<50x4096xi32, #tpu.memory_space<hbm>>, %arg3: memref<100000x64xf32, #tpu.memory_space<hbm>>, %arg4: memref<4096x64xf32, #tpu.memory_space<hbm>>, %arg5: memref<50x128xi32, #tpu.memory_space<vmem>>, %arg6: memref<128x64xf32, #tpu.memory_space<vmem>>, %arg7: memref<!tpu.dma_semaphore, #tpu.memory_space<semaphore_mem>>, %arg8: memref<!tpu.dma_semaphore, #tpu.memory_space<semaphore_mem>>) attributes {dimension_semantics = [#tpu.dimension_semantics<core_parallel>, #tpu.dimension_semantics<subcore_parallel>], iteration_bounds = array<i64: 2, 16>, scalar_prefetch = 0 : i64, scratch_operands = 4 : i64, tpu.core_type = #tpu.core_type<sc_vector_subcore>, window_params = [{transform_indices = #map}, {transform_indices = #map}, {transform_indices = #map}]} {
    %mul3A = arith.constant 2 : i32
    %mul3A_0 = arith.muli %arg1, %mul3A : i32
    %add3A = arith.addi %mul3A_0, %arg0 : i32
    %mul3A_1 = arith.constant 128 : i32
    %mul3A_2 = arith.muli %add3A, %mul3A_1 : i32
    %dma_start3A = arith.constant 0 : i32
    %dma_start3A_3 = tpu.memref_slice %arg2[%dma_start3A, %mul3A_2] : memref<50x4096xi32, #tpu.memory_space<hbm>> -> memref<50x128xi32, #tpu.memory_space<hbm>>
    %dma_start3A_4 = arith.constant 0 : i32
    %dma_start3A_5 = tpu.memref_slice %arg2[%dma_start3A_4, %mul3A_2] : memref<50x4096xi32, #tpu.memory_space<hbm>> -> memref<50x128xi32, #tpu.memory_space<hbm>>
    tpu.enqueue_dma source(%dma_start3A_5 : memref<50x128xi32, #tpu.memory_space<hbm>>) target(%arg5 : memref<50x128xi32, #tpu.memory_space<vmem>>) target_semaphore(%arg8 : memref<!tpu.dma_semaphore, #tpu.memory_space<semaphore_mem>>)
    %broadcast_in_dim3A = arith.constant 0.000000e+00 : f32
    %broadcast_in_dim3A_6 = vector.broadcast %broadcast_in_dim3A : f32 to vector<16xf32>
    %scan3A = arith.constant 0 : i32
    %scan3A_7 = arith.constant 0 : i32
    %scan3A_8 = arith.constant 128 : i32
    %scan3A_9 = arith.addi %scan3A_7, %scan3A_8 : i32
    %scan3A_10 = arith.constant 1 : i32
    %scan3A_11 = scf.for %scan3A_716 = %scan3A_7 to %scan3A_9 step %scan3A_10 iter_args(%scan3A_717 = %scan3A) -> (i32)  : i32 {
      %swap3A = arith.index_cast %scan3A_716 : i32 to index
      %swap3A_718 = arith.constant 0 : index
      %swap3A_719 = tpu.vector_load %arg6[%swap3A, %swap3A_718] {strides = array<i32>} : memref<128x64xf32, #tpu.memory_space<vmem>>, vector<16xf32>,
      tpu.vector_store %arg6[%swap3A, %swap3A_718], %broadcast_in_dim3A_6 {strides = array<i32>} : memref<128x64xf32, #tpu.memory_space<vmem>>, vector<16xf32>,
      %swap3A_720 = arith.index_cast %scan3A_716 : i32 to index
      %swap3A_721 = arith.constant 16 : index
      %swap3A_722 = tpu.vector_load %arg6[%swap3A_720, %swap3A_721] {strides = array<i32>} : memref<128x64xf32, #tpu.memory_space<vmem>>, vector<16xf32>,
      tpu.vector_store %arg6[%swap3A_720, %swap3A_721], %broadcast_in_dim3A_6 {strides = array<i32>} : memref<128x64xf32, #tpu.memory_space<vmem>>, vector<16xf32>,
      %swap3A_723 = arith.index_cast %scan3A_716 : i32 to index
      %swap3A_724 = arith.constant 32 : index
      %swap3A_725 = tpu.vector_load %arg6[%swap3A_723, %swap3A_724] {strides = array<i32>} : memref<128x64xf32, #tpu.memory_space<vmem>>, vector<16xf32>,
      tpu.vector_store %arg6[%swap3A_723, %swap3A_724], %broadcast_in_dim3A_6 {strides = array<i32>} : memref<128x64xf32, #tpu.memory_space<vmem>>, vector<16xf32>,
      %swap3A_726 = arith.index_cast %scan3A_716 : i32 to index
      %swap3A_727 = arith.constant 48 : index
      %swap3A_728 = tpu.vector_load %arg6[%swap3A_726, %swap3A_727] {strides = array<i32>} : memref<128x64xf32, #tpu.memory_space<vmem>>, vector<16xf32>,
      tpu.vector_store %arg6[%swap3A_726, %swap3A_727], %broadcast_in_dim3A_6 {strides = array<i32>} : memref<128x64xf32, #tpu.memory_space<vmem>>, vector<16xf32>,
      %scan3A_729 = arith.constant 0 : i32
      scf.yield %scan3A_729 : i32
    }
    %scan3A_12 = arith.constant 128 : i32
    %dma_wait3A = arith.constant 0 : i32
    %dma_wait3A_13 = tpu.memref_slice %arg2[%dma_wait3A, %mul3A_2] : memref<50x4096xi32, #tpu.memory_space<hbm>> -> memref<50x128xi32, #tpu.memory_space<hbm>>
    %dma_wait3A_14 = arith.constant 0 : i32
    %dma_wait3A_15 = tpu.memref_slice %arg2[%dma_wait3A_14, %mul3A_2] : memref<50x4096xi32, #tpu.memory_space<hbm>> -> memref<50x128xi32, #tpu.memory_space<hbm>>
    tpu.wait_dma2 semaphore(%arg8 : memref<!tpu.dma_semaphore, #tpu.memory_space<semaphore_mem>>) src(%dma_wait3A_15 : memref<50x128xi32, #tpu.memory_space<hbm>>) dst(%arg5 : memref<50x128xi32, #tpu.memory_space<vmem>>)
    %dma_start3A_16 = arith.constant 0 : i32
    %dma_start3A_17 = arith.constant 0 : i32
    %dma_start3A_18 = tpu.memref_slice %arg5[%dma_start3A_16, %dma_start3A_17] : memref<50x128xi32, #tpu.memory_space<vmem>> -> memref<1x128xi32, #tpu.memory_space<vmem>>
    %dma_start3A_19 = tpu.memref_squeeze %dma_start3A_18 : memref<1x128xi32, #tpu.memory_space<vmem>> -> memref<128xi32, #tpu.memory_space<vmem>>
    %dma_start3A_20 = arith.constant 0 : i32
    %dma_start3A_21 = arith.constant 0 : i32
    %dma_start3A_22 = tpu.memref_slice %arg3[%dma_start3A_20, %dma_start3A_21] : memref<100000x64xf32, #tpu.memory_space<hbm>> -> memref<100000x64xf32, #tpu.memory_space<hbm>>
    tpu.enqueue_indirect_dma source(%dma_start3A_22 : memref<100000x64xf32, #tpu.memory_space<hbm>>) target(%arg6 : memref<128x64xf32, #tpu.memory_space<vmem>>) offsets(%dma_start3A_19 : memref<128xi32, #tpu.memory_space<vmem>>) semaphore(%arg7 : memref<!tpu.dma_semaphore, #tpu.memory_space<semaphore_mem>>) {add = true}
    %dma_start3A_23 = arith.constant 1 : i32
    %dma_start3A_24 = arith.constant 0 : i32
    %dma_start3A_25 = tpu.memref_slice %arg5[%dma_start3A_23, %dma_start3A_24] : memref<50x128xi32, #tpu.memory_space<vmem>> -> memref<1x128xi32, #tpu.memory_space<vmem>>
    %dma_start3A_26 = tpu.memref_squeeze %dma_start3A_25 : memref<1x128xi32, #tpu.memory_space<vmem>> -> memref<128xi32, #tpu.memory_space<vmem>>
    %dma_start3A_27 = arith.constant 0 : i32
    %dma_start3A_28 = arith.constant 0 : i32
    %dma_start3A_29 = tpu.memref_slice %arg3[%dma_start3A_27, %dma_start3A_28] : memref<100000x64xf32, #tpu.memory_space<hbm>> -> memref<100000x64xf32, #tpu.memory_space<hbm>>
    tpu.enqueue_indirect_dma source(%dma_start3A_29 : memref<100000x64xf32, #tpu.memory_space<hbm>>) target(%arg6 : memref<128x64xf32, #tpu.memory_space<vmem>>) offsets(%dma_start3A_26 : memref<128xi32, #tpu.memory_space<vmem>>) semaphore(%arg7 : memref<!tpu.dma_semaphore, #tpu.memory_space<semaphore_mem>>) {add = true}
    %dma_start3A_30 = arith.constant 2 : i32
    %dma_start3A_31 = arith.constant 0 : i32
    %dma_start3A_32 = tpu.memref_slice %arg5[%dma_start3A_30, %dma_start3A_31] : memref<50x128xi32, #tpu.memory_space<vmem>> -> memref<1x128xi32, #tpu.memory_space<vmem>>
    %dma_start3A_33 = tpu.memref_squeeze %dma_start3A_32 : memref<1x128xi32, #tpu.memory_space<vmem>> -> memref<128xi32, #tpu.memory_space<vmem>>
    %dma_start3A_34 = arith.constant 0 : i32
    %dma_start3A_35 = arith.constant 0 : i32
    %dma_start3A_36 = tpu.memref_slice %arg3[%dma_start3A_34, %dma_start3A_35] : memref<100000x64xf32, #tpu.memory_space<hbm>> -> memref<100000x64xf32, #tpu.memory_space<hbm>>
    tpu.enqueue_indirect_dma source(%dma_start3A_36 : memref<100000x64xf32, #tpu.memory_space<hbm>>) target(%arg6 : memref<128x64xf32, #tpu.memory_space<vmem>>) offsets(%dma_start3A_33 : memref<128xi32, #tpu.memory_space<vmem>>) semaphore(%arg7 : memref<!tpu.dma_semaphore, #tpu.memory_space<semaphore_mem>>) {add = true}
    %dma_start3A_37 = arith.constant 3 : i32
    %dma_start3A_38 = arith.constant 0 : i32
    %dma_start3A_39 = tpu.memref_slice %arg5[%dma_start3A_37, %dma_start3A_38] : memref<50x128xi32, #tpu.memory_space<vmem>> -> memref<1x128xi32, #tpu.memory_space<vmem>>
    %dma_start3A_40 = tpu.memref_squeeze %dma_start3A_39 : memref<1x128xi32, #tpu.memory_space<vmem>> -> memref<128xi32, #tpu.memory_space<vmem>>
    %dma_start3A_41 = arith.constant 0 : i32
    %dma_start3A_42 = arith.constant 0 : i32
    %dma_start3A_43 = tpu.memref_slice %arg3[%dma_start3A_41, %dma_start3A_42] : memref<100000x64xf32, #tpu.memory_space<hbm>> -> memref<100000x64xf32, #tpu.memory_space<hbm>>
    tpu.enqueue_indirect_dma source(%dma_start3A_43 : memref<100000x64xf32, #tpu.memory_space<hbm>>) target(%arg6 : memref<128x64xf32, #tpu.memory_space<vmem>>) offsets(%dma_start3A_40 : memref<128xi32, #tpu.memory_space<vmem>>) semaphore(%arg7 : memref<!tpu.dma_semaphore, #tpu.memory_space<semaphore_mem>>) {add = true}
    %dma_start3A_44 = arith.constant 4 : i32
    %dma_start3A_45 = arith.constant 0 : i32
    %dma_start3A_46 = tpu.memref_slice %arg5[%dma_start3A_44, %dma_start3A_45] : memref<50x128xi32, #tpu.memory_space<vmem>> -> memref<1x128xi32, #tpu.memory_space<vmem>>
    %dma_start3A_47 = tpu.memref_squeeze %dma_start3A_46 : memref<1x128xi32, #tpu.memory_space<vmem>> -> memref<128xi32, #tpu.memory_space<vmem>>
    %dma_start3A_48 = arith.constant 0 : i32
    %dma_start3A_49 = arith.constant 0 : i32
    %dma_start3A_50 = tpu.memref_slice %arg3[%dma_start3A_48, %dma_start3A_49] : memref<100000x64xf32, #tpu.memory_space<hbm>> -> memref<100000x64xf32, #tpu.memory_space<hbm>>
    tpu.enqueue_indirect_dma source(%dma_start3A_50 : memref<100000x64xf32, #tpu.memory_space<hbm>>) target(%arg6 : memref<128x64xf32, #tpu.memory_space<vmem>>) offsets(%dma_start3A_47 : memref<128xi32, #tpu.memory_space<vmem>>) semaphore(%arg7 : memref<!tpu.dma_semaphore, #tpu.memory_space<semaphore_mem>>) {add = true}
    %dma_start3A_51 = arith.constant 5 : i32
    %dma_start3A_52 = arith.constant 0 : i32
    %dma_start3A_53 = tpu.memref_slice %arg5[%dma_start3A_51, %dma_start3A_52] : memref<50x128xi32, #tpu.memory_space<vmem>> -> memref<1x128xi32, #tpu.memory_space<vmem>>
    %dma_start3A_54 = tpu.memref_squeeze %dma_start3A_53 : memref<1x128xi32, #tpu.memory_space<vmem>> -> memref<128xi32, #tpu.memory_space<vmem>>
    %dma_start3A_55 = arith.constant 0 : i32
    %dma_start3A_56 = arith.constant 0 : i32
    %dma_start3A_57 = tpu.memref_slice %arg3[%dma_start3A_55, %dma_start3A_56] : memref<100000x64xf32, #tpu.memory_space<hbm>> -> memref<100000x64xf32, #tpu.memory_space<hbm>>
    tpu.enqueue_indirect_dma source(%dma_start3A_57 : memref<100000x64xf32, #tpu.memory_space<hbm>>) target(%arg6 : memref<128x64xf32, #tpu.memory_space<vmem>>) offsets(%dma_start3A_54 : memref<128xi32, #tpu.memory_space<vmem>>) semaphore(%arg7 : memref<!tpu.dma_semaphore, #tpu.memory_space<semaphore_mem>>) {add = true}
    %dma_start3A_58 = arith.constant 6 : i32
    %dma_start3A_59 = arith.constant 0 : i32
    %dma_start3A_60 = tpu.memref_slice %arg5[%dma_start3A_58, %dma_start3A_59] : memref<50x128xi32, #tpu.memory_space<vmem>> -> memref<1x128xi32, #tpu.memory_space<vmem>>
    %dma_start3A_61 = tpu.memref_squeeze %dma_start3A_60 : memref<1x128xi32, #tpu.memory_space<vmem>> -> memref<128xi32, #tpu.memory_space<vmem>>
    %dma_start3A_62 = arith.constant 0 : i32
    %dma_start3A_63 = arith.constant 0 : i32
    %dma_start3A_64 = tpu.memref_slice %arg3[%dma_start3A_62, %dma_start3A_63] : memref<100000x64xf32, #tpu.memory_space<hbm>> -> memref<100000x64xf32, #tpu.memory_space<hbm>>
    tpu.enqueue_indirect_dma source(%dma_start3A_64 : memref<100000x64xf32, #tpu.memory_space<hbm>>) target(%arg6 : memref<128x64xf32, #tpu.memory_space<vmem>>) offsets(%dma_start3A_61 : memref<128xi32, #tpu.memory_space<vmem>>) semaphore(%arg7 : memref<!tpu.dma_semaphore, #tpu.memory_space<semaphore_mem>>) {add = true}
    %dma_start3A_65 = arith.constant 7 : i32
    %dma_start3A_66 = arith.constant 0 : i32
    %dma_start3A_67 = tpu.memref_slice %arg5[%dma_start3A_65, %dma_start3A_66] : memref<50x128xi32, #tpu.memory_space<vmem>> -> memref<1x128xi32, #tpu.memory_space<vmem>>
    %dma_start3A_68 = tpu.memref_squeeze %dma_start3A_67 : memref<1x128xi32, #tpu.memory_space<vmem>> -> memref<128xi32, #tpu.memory_space<vmem>>
    %dma_start3A_69 = arith.constant 0 : i32
    %dma_start3A_70 = arith.constant 0 : i32
    %dma_start3A_71 = tpu.memref_slice %arg3[%dma_start3A_69, %dma_start3A_70] : memref<100000x64xf32, #tpu.memory_space<hbm>> -> memref<100000x64xf32, #tpu.memory_space<hbm>>
    tpu.enqueue_indirect_dma source(%dma_start3A_71 : memref<100000x64xf32, #tpu.memory_space<hbm>>) target(%arg6 : memref<128x64xf32, #tpu.memory_space<vmem>>) offsets(%dma_start3A_68 : memref<128xi32, #tpu.memory_space<vmem>>) semaphore(%arg7 : memref<!tpu.dma_semaphore, #tpu.memory_space<semaphore_mem>>) {add = true}
    %dma_start3A_72 = arith.constant 8 : i32
    %dma_start3A_73 = arith.constant 0 : i32
    %dma_start3A_74 = tpu.memref_slice %arg5[%dma_start3A_72, %dma_start3A_73] : memref<50x128xi32, #tpu.memory_space<vmem>> -> memref<1x128xi32, #tpu.memory_space<vmem>>
    %dma_start3A_75 = tpu.memref_squeeze %dma_start3A_74 : memref<1x128xi32, #tpu.memory_space<vmem>> -> memref<128xi32, #tpu.memory_space<vmem>>
    %dma_start3A_76 = arith.constant 0 : i32
    %dma_start3A_77 = arith.constant 0 : i32
    %dma_start3A_78 = tpu.memref_slice %arg3[%dma_start3A_76, %dma_start3A_77] : memref<100000x64xf32, #tpu.memory_space<hbm>> -> memref<100000x64xf32, #tpu.memory_space<hbm>>
    tpu.enqueue_indirect_dma source(%dma_start3A_78 : memref<100000x64xf32, #tpu.memory_space<hbm>>) target(%arg6 : memref<128x64xf32, #tpu.memory_space<vmem>>) offsets(%dma_start3A_75 : memref<128xi32, #tpu.memory_space<vmem>>) semaphore(%arg7 : memref<!tpu.dma_semaphore, #tpu.memory_space<semaphore_mem>>) {add = true}
    %dma_start3A_79 = arith.constant 9 : i32
    %dma_start3A_80 = arith.constant 0 : i32
    %dma_start3A_81 = tpu.memref_slice %arg5[%dma_start3A_79, %dma_start3A_80] : memref<50x128xi32, #tpu.memory_space<vmem>> -> memref<1x128xi32, #tpu.memory_space<vmem>>
    %dma_start3A_82 = tpu.memref_squeeze %dma_start3A_81 : memref<1x128xi32, #tpu.memory_space<vmem>> -> memref<128xi32, #tpu.memory_space<vmem>>
    %dma_start3A_83 = arith.constant 0 : i32
    %dma_start3A_84 = arith.constant 0 : i32
    %dma_start3A_85 = tpu.memref_slice %arg3[%dma_start3A_83, %dma_start3A_84] : memref<100000x64xf32, #tpu.memory_space<hbm>> -> memref<100000x64xf32, #tpu.memory_space<hbm>>
    tpu.enqueue_indirect_dma source(%dma_start3A_85 : memref<100000x64xf32, #tpu.memory_space<hbm>>) target(%arg6 : memref<128x64xf32, #tpu.memory_space<vmem>>) offsets(%dma_start3A_82 : memref<128xi32, #tpu.memory_space<vmem>>) semaphore(%arg7 : memref<!tpu.dma_semaphore, #tpu.memory_space<semaphore_mem>>) {add = true}
    %dma_start3A_86 = arith.constant 10 : i32
    %dma_start3A_87 = arith.constant 0 : i32
    %dma_start3A_88 = tpu.memref_slice %arg5[%dma_start3A_86, %dma_start3A_87] : memref<50x128xi32, #tpu.memory_space<vmem>> -> memref<1x128xi32, #tpu.memory_space<vmem>>
    %dma_start3A_89 = tpu.memref_squeeze %dma_start3A_88 : memref<1x128xi32, #tpu.memory_space<vmem>> -> memref<128xi32, #tpu.memory_space<vmem>>
    %dma_start3A_90 = arith.constant 0 : i32
    %dma_start3A_91 = arith.constant 0 : i32
    %dma_start3A_92 = tpu.memref_slice %arg3[%dma_start3A_90, %dma_start3A_91] : memref<100000x64xf32, #tpu.memory_space<hbm>> -> memref<100000x64xf32, #tpu.memory_space<hbm>>
    tpu.enqueue_indirect_dma source(%dma_start3A_92 : memref<100000x64xf32, #tpu.memory_space<hbm>>) target(%arg6 : memref<128x64xf32, #tpu.memory_space<vmem>>) offsets(%dma_start3A_89 : memref<128xi32, #tpu.memory_space<vmem>>) semaphore(%arg7 : memref<!tpu.dma_semaphore, #tpu.memory_space<semaphore_mem>>) {add = true}
    %dma_start3A_93 = arith.constant 11 : i32
    %dma_start3A_94 = arith.constant 0 : i32
    %dma_start3A_95 = tpu.memref_slice %arg5[%dma_start3A_93, %dma_start3A_94] : memref<50x128xi32, #tpu.memory_space<vmem>> -> memref<1x128xi32, #tpu.memory_space<vmem>>
    %dma_start3A_96 = tpu.memref_squeeze %dma_start3A_95 : memref<1x128xi32, #tpu.memory_space<vmem>> -> memref<128xi32, #tpu.memory_space<vmem>>
    %dma_start3A_97 = arith.constant 0 : i32
    %dma_start3A_98 = arith.constant 0 : i32
    %dma_start3A_99 = tpu.memref_slice %arg3[%dma_start3A_97, %dma_start3A_98] : memref<100000x64xf32, #tpu.memory_space<hbm>> -> memref<100000x64xf32, #tpu.memory_space<hbm>>
    tpu.enqueue_indirect_dma source(%dma_start3A_99 : memref<100000x64xf32, #tpu.memory_space<hbm>>) target(%arg6 : memref<128x64xf32, #tpu.memory_space<vmem>>) offsets(%dma_start3A_96 : memref<128xi32, #tpu.memory_space<vmem>>) semaphore(%arg7 : memref<!tpu.dma_semaphore, #tpu.memory_space<semaphore_mem>>) {add = true}
    %dma_start3A_100 = arith.constant 12 : i32
    %dma_start3A_101 = arith.constant 0 : i32
    %dma_start3A_102 = tpu.memref_slice %arg5[%dma_start3A_100, %dma_start3A_101] : memref<50x128xi32, #tpu.memory_space<vmem>> -> memref<1x128xi32, #tpu.memory_space<vmem>>
    %dma_start3A_103 = tpu.memref_squeeze %dma_start3A_102 : memref<1x128xi32, #tpu.memory_space<vmem>> -> memref<128xi32, #tpu.memory_space<vmem>>
    %dma_start3A_104 = arith.constant 0 : i32
    %dma_start3A_105 = arith.constant 0 : i32
    %dma_start3A_106 = tpu.memref_slice %arg3[%dma_start3A_104, %dma_start3A_105] : memref<100000x64xf32, #tpu.memory_space<hbm>> -> memref<100000x64xf32, #tpu.memory_space<hbm>>
    tpu.enqueue_indirect_dma source(%dma_start3A_106 : memref<100000x64xf32, #tpu.memory_space<hbm>>) target(%arg6 : memref<128x64xf32, #tpu.memory_space<vmem>>) offsets(%dma_start3A_103 : memref<128xi32, #tpu.memory_space<vmem>>) semaphore(%arg7 : memref<!tpu.dma_semaphore, #tpu.memory_space<semaphore_mem>>) {add = true}
    %dma_start3A_107 = arith.constant 13 : i32
    %dma_start3A_108 = arith.constant 0 : i32
    %dma_start3A_109 = tpu.memref_slice %arg5[%dma_start3A_107, %dma_start3A_108] : memref<50x128xi32, #tpu.memory_space<vmem>> -> memref<1x128xi32, #tpu.memory_space<vmem>>
    %dma_start3A_110 = tpu.memref_squeeze %dma_start3A_109 : memref<1x128xi32, #tpu.memory_space<vmem>> -> memref<128xi32, #tpu.memory_space<vmem>>
    %dma_start3A_111 = arith.constant 0 : i32
    %dma_start3A_112 = arith.constant 0 : i32
    %dma_start3A_113 = tpu.memref_slice %arg3[%dma_start3A_111, %dma_start3A_112] : memref<100000x64xf32, #tpu.memory_space<hbm>> -> memref<100000x64xf32, #tpu.memory_space<hbm>>
    tpu.enqueue_indirect_dma source(%dma_start3A_113 : memref<100000x64xf32, #tpu.memory_space<hbm>>) target(%arg6 : memref<128x64xf32, #tpu.memory_space<vmem>>) offsets(%dma_start3A_110 : memref<128xi32, #tpu.memory_space<vmem>>) semaphore(%arg7 : memref<!tpu.dma_semaphore, #tpu.memory_space<semaphore_mem>>) {add = true}
    %dma_start3A_114 = arith.constant 14 : i32
    %dma_start3A_115 = arith.constant 0 : i32
    %dma_start3A_116 = tpu.memref_slice %arg5[%dma_start3A_114, %dma_start3A_115] : memref<50x128xi32, #tpu.memory_space<vmem>> -> memref<1x128xi32, #tpu.memory_space<vmem>>
    %dma_start3A_117 = tpu.memref_squeeze %dma_start3A_116 : memref<1x128xi32, #tpu.memory_space<vmem>> -> memref<128xi32, #tpu.memory_space<vmem>>
    %dma_start3A_118 = arith.constant 0 : i32
    %dma_start3A_119 = arith.constant 0 : i32
    %dma_start3A_120 = tpu.memref_slice %arg3[%dma_start3A_118, %dma_start3A_119] : memref<100000x64xf32, #tpu.memory_space<hbm>> -> memref<100000x64xf32, #tpu.memory_space<hbm>>
    tpu.enqueue_indirect_dma source(%dma_start3A_120 : memref<100000x64xf32, #tpu.memory_space<hbm>>) target(%arg6 : memref<128x64xf32, #tpu.memory_space<vmem>>) offsets(%dma_start3A_117 : memref<128xi32, #tpu.memory_space<vmem>>) semaphore(%arg7 : memref<!tpu.dma_semaphore, #tpu.memory_space<semaphore_mem>>) {add = true}
    %dma_start3A_121 = arith.constant 15 : i32
    %dma_start3A_122 = arith.constant 0 : i32
    %dma_start3A_123 = tpu.memref_slice %arg5[%dma_start3A_121, %dma_start3A_122] : memref<50x128xi32, #tpu.memory_space<vmem>> -> memref<1x128xi32, #tpu.memory_space<vmem>>
    %dma_start3A_124 = tpu.memref_squeeze %dma_start3A_123 : memref<1x128xi32, #tpu.memory_space<vmem>> -> memref<128xi32, #tpu.memory_space<vmem>>
    %dma_start3A_125 = arith.constant 0 : i32
    %dma_start3A_126 = arith.constant 0 : i32
    %dma_start3A_127 = tpu.memref_slice %arg3[%dma_start3A_125, %dma_start3A_126] : memref<100000x64xf32, #tpu.memory_space<hbm>> -> memref<100000x64xf32, #tpu.memory_space<hbm>>
    tpu.enqueue_indirect_dma source(%dma_start3A_127 : memref<100000x64xf32, #tpu.memory_space<hbm>>) target(%arg6 : memref<128x64xf32, #tpu.memory_space<vmem>>) offsets(%dma_start3A_124 : memref<128xi32, #tpu.memory_space<vmem>>) semaphore(%arg7 : memref<!tpu.dma_semaphore, #tpu.memory_space<semaphore_mem>>) {add = true}
    %dma_start3A_128 = arith.constant 16 : i32
    %dma_start3A_129 = arith.constant 0 : i32
    %dma_start3A_130 = tpu.memref_slice %arg5[%dma_start3A_128, %dma_start3A_129] : memref<50x128xi32, #tpu.memory_space<vmem>> -> memref<1x128xi32, #tpu.memory_space<vmem>>
    %dma_start3A_131 = tpu.memref_squeeze %dma_start3A_130 : memref<1x128xi32, #tpu.memory_space<vmem>> -> memref<128xi32, #tpu.memory_space<vmem>>
    %dma_start3A_132 = arith.constant 0 : i32
    %dma_start3A_133 = arith.constant 0 : i32
    %dma_start3A_134 = tpu.memref_slice %arg3[%dma_start3A_132, %dma_start3A_133] : memref<100000x64xf32, #tpu.memory_space<hbm>> -> memref<100000x64xf32, #tpu.memory_space<hbm>>
    tpu.enqueue_indirect_dma source(%dma_start3A_134 : memref<100000x64xf32, #tpu.memory_space<hbm>>) target(%arg6 : memref<128x64xf32, #tpu.memory_space<vmem>>) offsets(%dma_start3A_131 : memref<128xi32, #tpu.memory_space<vmem>>) semaphore(%arg7 : memref<!tpu.dma_semaphore, #tpu.memory_space<semaphore_mem>>) {add = true}
    %dma_start3A_135 = arith.constant 17 : i32
    %dma_start3A_136 = arith.constant 0 : i32
    %dma_start3A_137 = tpu.memref_slice %arg5[%dma_start3A_135, %dma_start3A_136] : memref<50x128xi32, #tpu.memory_space<vmem>> -> memref<1x128xi32, #tpu.memory_space<vmem>>
    %dma_start3A_138 = tpu.memref_squeeze %dma_start3A_137 : memref<1x128xi32, #tpu.memory_space<vmem>> -> memref<128xi32, #tpu.memory_space<vmem>>
    %dma_start3A_139 = arith.constant 0 : i32
    %dma_start3A_140 = arith.constant 0 : i32
    %dma_start3A_141 = tpu.memref_slice %arg3[%dma_start3A_139, %dma_start3A_140] : memref<100000x64xf32, #tpu.memory_space<hbm>> -> memref<100000x64xf32, #tpu.memory_space<hbm>>
    tpu.enqueue_indirect_dma source(%dma_start3A_141 : memref<100000x64xf32, #tpu.memory_space<hbm>>) target(%arg6 : memref<128x64xf32, #tpu.memory_space<vmem>>) offsets(%dma_start3A_138 : memref<128xi32, #tpu.memory_space<vmem>>) semaphore(%arg7 : memref<!tpu.dma_semaphore, #tpu.memory_space<semaphore_mem>>) {add = true}
    %dma_start3A_142 = arith.constant 18 : i32
    %dma_start3A_143 = arith.constant 0 : i32
    %dma_start3A_144 = tpu.memref_slice %arg5[%dma_start3A_142, %dma_start3A_143] : memref<50x128xi32, #tpu.memory_space<vmem>> -> memref<1x128xi32, #tpu.memory_space<vmem>>
    %dma_start3A_145 = tpu.memref_squeeze %dma_start3A_144 : memref<1x128xi32, #tpu.memory_space<vmem>> -> memref<128xi32, #tpu.memory_space<vmem>>
    %dma_start3A_146 = arith.constant 0 : i32
    %dma_start3A_147 = arith.constant 0 : i32
    %dma_start3A_148 = tpu.memref_slice %arg3[%dma_start3A_146, %dma_start3A_147] : memref<100000x64xf32, #tpu.memory_space<hbm>> -> memref<100000x64xf32, #tpu.memory_space<hbm>>
    tpu.enqueue_indirect_dma source(%dma_start3A_148 : memref<100000x64xf32, #tpu.memory_space<hbm>>) target(%arg6 : memref<128x64xf32, #tpu.memory_space<vmem>>) offsets(%dma_start3A_145 : memref<128xi32, #tpu.memory_space<vmem>>) semaphore(%arg7 : memref<!tpu.dma_semaphore, #tpu.memory_space<semaphore_mem>>) {add = true}
    %dma_start3A_149 = arith.constant 19 : i32
    %dma_start3A_150 = arith.constant 0 : i32
    %dma_start3A_151 = tpu.memref_slice %arg5[%dma_start3A_149, %dma_start3A_150] : memref<50x128xi32, #tpu.memory_space<vmem>> -> memref<1x128xi32, #tpu.memory_space<vmem>>
    %dma_start3A_152 = tpu.memref_squeeze %dma_start3A_151 : memref<1x128xi32, #tpu.memory_space<vmem>> -> memref<128xi32, #tpu.memory_space<vmem>>
    %dma_start3A_153 = arith.constant 0 : i32
    %dma_start3A_154 = arith.constant 0 : i32
    %dma_start3A_155 = tpu.memref_slice %arg3[%dma_start3A_153, %dma_start3A_154] : memref<100000x64xf32, #tpu.memory_space<hbm>> -> memref<100000x64xf32, #tpu.memory_space<hbm>>
    tpu.enqueue_indirect_dma source(%dma_start3A_155 : memref<100000x64xf32, #tpu.memory_space<hbm>>) target(%arg6 : memref<128x64xf32, #tpu.memory_space<vmem>>) offsets(%dma_start3A_152 : memref<128xi32, #tpu.memory_space<vmem>>) semaphore(%arg7 : memref<!tpu.dma_semaphore, #tpu.memory_space<semaphore_mem>>) {add = true}
    %dma_start3A_156 = arith.constant 20 : i32
    %dma_start3A_157 = arith.constant 0 : i32
    %dma_start3A_158 = tpu.memref_slice %arg5[%dma_start3A_156, %dma_start3A_157] : memref<50x128xi32, #tpu.memory_space<vmem>> -> memref<1x128xi32, #tpu.memory_space<vmem>>
    %dma_start3A_159 = tpu.memref_squeeze %dma_start3A_158 : memref<1x128xi32, #tpu.memory_space<vmem>> -> memref<128xi32, #tpu.memory_space<vmem>>
    %dma_start3A_160 = arith.constant 0 : i32
    %dma_start3A_161 = arith.constant 0 : i32
    %dma_start3A_162 = tpu.memref_slice %arg3[%dma_start3A_160, %dma_start3A_161] : memref<100000x64xf32, #tpu.memory_space<hbm>> -> memref<100000x64xf32, #tpu.memory_space<hbm>>
    tpu.enqueue_indirect_dma source(%dma_start3A_162 : memref<100000x64xf32, #tpu.memory_space<hbm>>) target(%arg6 : memref<128x64xf32, #tpu.memory_space<vmem>>) offsets(%dma_start3A_159 : memref<128xi32, #tpu.memory_space<vmem>>) semaphore(%arg7 : memref<!tpu.dma_semaphore, #tpu.memory_space<semaphore_mem>>) {add = true}
    %dma_start3A_163 = arith.constant 21 : i32
    %dma_start3A_164 = arith.constant 0 : i32
    %dma_start3A_165 = tpu.memref_slice %arg5[%dma_start3A_163, %dma_start3A_164] : memref<50x128xi32, #tpu.memory_space<vmem>> -> memref<1x128xi32, #tpu.memory_space<vmem>>
    %dma_start3A_166 = tpu.memref_squeeze %dma_start3A_165 : memref<1x128xi32, #tpu.memory_space<vmem>> -> memref<128xi32, #tpu.memory_space<vmem>>
    %dma_start3A_167 = arith.constant 0 : i32
    %dma_start3A_168 = arith.constant 0 : i32
    %dma_start3A_169 = tpu.memref_slice %arg3[%dma_start3A_167, %dma_start3A_168] : memref<100000x64xf32, #tpu.memory_space<hbm>> -> memref<100000x64xf32, #tpu.memory_space<hbm>>
    tpu.enqueue_indirect_dma source(%dma_start3A_169 : memref<100000x64xf32, #tpu.memory_space<hbm>>) target(%arg6 : memref<128x64xf32, #tpu.memory_space<vmem>>) offsets(%dma_start3A_166 : memref<128xi32, #tpu.memory_space<vmem>>) semaphore(%arg7 : memref<!tpu.dma_semaphore, #tpu.memory_space<semaphore_mem>>) {add = true}
    %dma_start3A_170 = arith.constant 22 : i32
    %dma_start3A_171 = arith.constant 0 : i32
    %dma_start3A_172 = tpu.memref_slice %arg5[%dma_start3A_170, %dma_start3A_171] : memref<50x128xi32, #tpu.memory_space<vmem>> -> memref<1x128xi32, #tpu.memory_space<vmem>>
    %dma_start3A_173 = tpu.memref_squeeze %dma_start3A_172 : memref<1x128xi32, #tpu.memory_space<vmem>> -> memref<128xi32, #tpu.memory_space<vmem>>
    %dma_start3A_174 = arith.constant 0 : i32
    %dma_start3A_175 = arith.constant 0 : i32
    %dma_start3A_176 = tpu.memref_slice %arg3[%dma_start3A_174, %dma_start3A_175] : memref<100000x64xf32, #tpu.memory_space<hbm>> -> memref<100000x64xf32, #tpu.memory_space<hbm>>
    tpu.enqueue_indirect_dma source(%dma_start3A_176 : memref<100000x64xf32, #tpu.memory_space<hbm>>) target(%arg6 : memref<128x64xf32, #tpu.memory_space<vmem>>) offsets(%dma_start3A_173 : memref<128xi32, #tpu.memory_space<vmem>>) semaphore(%arg7 : memref<!tpu.dma_semaphore, #tpu.memory_space<semaphore_mem>>) {add = true}
    %dma_start3A_177 = arith.constant 23 : i32
    %dma_start3A_178 = arith.constant 0 : i32
    %dma_start3A_179 = tpu.memref_slice %arg5[%dma_start3A_177, %dma_start3A_178] : memref<50x128xi32, #tpu.memory_space<vmem>> -> memref<1x128xi32, #tpu.memory_space<vmem>>
    %dma_start3A_180 = tpu.memref_squeeze %dma_start3A_179 : memref<1x128xi32, #tpu.memory_space<vmem>> -> memref<128xi32, #tpu.memory_space<vmem>>
    %dma_start3A_181 = arith.constant 0 : i32
    %dma_start3A_182 = arith.constant 0 : i32
    %dma_start3A_183 = tpu.memref_slice %arg3[%dma_start3A_181, %dma_start3A_182] : memref<100000x64xf32, #tpu.memory_space<hbm>> -> memref<100000x64xf32, #tpu.memory_space<hbm>>
    tpu.enqueue_indirect_dma source(%dma_start3A_183 : memref<100000x64xf32, #tpu.memory_space<hbm>>) target(%arg6 : memref<128x64xf32, #tpu.memory_space<vmem>>) offsets(%dma_start3A_180 : memref<128xi32, #tpu.memory_space<vmem>>) semaphore(%arg7 : memref<!tpu.dma_semaphore, #tpu.memory_space<semaphore_mem>>) {add = true}
    %dma_start3A_184 = arith.constant 24 : i32
    %dma_start3A_185 = arith.constant 0 : i32
    %dma_start3A_186 = tpu.memref_slice %arg5[%dma_start3A_184, %dma_start3A_185] : memref<50x128xi32, #tpu.memory_space<vmem>> -> memref<1x128xi32, #tpu.memory_space<vmem>>
    %dma_start3A_187 = tpu.memref_squeeze %dma_start3A_186 : memref<1x128xi32, #tpu.memory_space<vmem>> -> memref<128xi32, #tpu.memory_space<vmem>>
    %dma_start3A_188 = arith.constant 0 : i32
    %dma_start3A_189 = arith.constant 0 : i32
    %dma_start3A_190 = tpu.memref_slice %arg3[%dma_start3A_188, %dma_start3A_189] : memref<100000x64xf32, #tpu.memory_space<hbm>> -> memref<100000x64xf32, #tpu.memory_space<hbm>>
    tpu.enqueue_indirect_dma source(%dma_start3A_190 : memref<100000x64xf32, #tpu.memory_space<hbm>>) target(%arg6 : memref<128x64xf32, #tpu.memory_space<vmem>>) offsets(%dma_start3A_187 : memref<128xi32, #tpu.memory_space<vmem>>) semaphore(%arg7 : memref<!tpu.dma_semaphore, #tpu.memory_space<semaphore_mem>>) {add = true}
    %dma_start3A_191 = arith.constant 25 : i32
    %dma_start3A_192 = arith.constant 0 : i32
    %dma_start3A_193 = tpu.memref_slice %arg5[%dma_start3A_191, %dma_start3A_192] : memref<50x128xi32, #tpu.memory_space<vmem>> -> memref<1x128xi32, #tpu.memory_space<vmem>>
    %dma_start3A_194 = tpu.memref_squeeze %dma_start3A_193 : memref<1x128xi32, #tpu.memory_space<vmem>> -> memref<128xi32, #tpu.memory_space<vmem>>
    %dma_start3A_195 = arith.constant 0 : i32
    %dma_start3A_196 = arith.constant 0 : i32
    %dma_start3A_197 = tpu.memref_slice %arg3[%dma_start3A_195, %dma_start3A_196] : memref<100000x64xf32, #tpu.memory_space<hbm>> -> memref<100000x64xf32, #tpu.memory_space<hbm>>
    tpu.enqueue_indirect_dma source(%dma_start3A_197 : memref<100000x64xf32, #tpu.memory_space<hbm>>) target(%arg6 : memref<128x64xf32, #tpu.memory_space<vmem>>) offsets(%dma_start3A_194 : memref<128xi32, #tpu.memory_space<vmem>>) semaphore(%arg7 : memref<!tpu.dma_semaphore, #tpu.memory_space<semaphore_mem>>) {add = true}
    %dma_start3A_198 = arith.constant 26 : i32
    %dma_start3A_199 = arith.constant 0 : i32
    %dma_start3A_200 = tpu.memref_slice %arg5[%dma_start3A_198, %dma_start3A_199] : memref<50x128xi32, #tpu.memory_space<vmem>> -> memref<1x128xi32, #tpu.memory_space<vmem>>
    %dma_start3A_201 = tpu.memref_squeeze %dma_start3A_200 : memref<1x128xi32, #tpu.memory_space<vmem>> -> memref<128xi32, #tpu.memory_space<vmem>>
    %dma_start3A_202 = arith.constant 0 : i32
    %dma_start3A_203 = arith.constant 0 : i32
    %dma_start3A_204 = tpu.memref_slice %arg3[%dma_start3A_202, %dma_start3A_203] : memref<100000x64xf32, #tpu.memory_space<hbm>> -> memref<100000x64xf32, #tpu.memory_space<hbm>>
    tpu.enqueue_indirect_dma source(%dma_start3A_204 : memref<100000x64xf32, #tpu.memory_space<hbm>>) target(%arg6 : memref<128x64xf32, #tpu.memory_space<vmem>>) offsets(%dma_start3A_201 : memref<128xi32, #tpu.memory_space<vmem>>) semaphore(%arg7 : memref<!tpu.dma_semaphore, #tpu.memory_space<semaphore_mem>>) {add = true}
    %dma_start3A_205 = arith.constant 27 : i32
    %dma_start3A_206 = arith.constant 0 : i32
    %dma_start3A_207 = tpu.memref_slice %arg5[%dma_start3A_205, %dma_start3A_206] : memref<50x128xi32, #tpu.memory_space<vmem>> -> memref<1x128xi32, #tpu.memory_space<vmem>>
    %dma_start3A_208 = tpu.memref_squeeze %dma_start3A_207 : memref<1x128xi32, #tpu.memory_space<vmem>> -> memref<128xi32, #tpu.memory_space<vmem>>
    %dma_start3A_209 = arith.constant 0 : i32
    %dma_start3A_210 = arith.constant 0 : i32
    %dma_start3A_211 = tpu.memref_slice %arg3[%dma_start3A_209, %dma_start3A_210] : memref<100000x64xf32, #tpu.memory_space<hbm>> -> memref<100000x64xf32, #tpu.memory_space<hbm>>
    tpu.enqueue_indirect_dma source(%dma_start3A_211 : memref<100000x64xf32, #tpu.memory_space<hbm>>) target(%arg6 : memref<128x64xf32, #tpu.memory_space<vmem>>) offsets(%dma_start3A_208 : memref<128xi32, #tpu.memory_space<vmem>>) semaphore(%arg7 : memref<!tpu.dma_semaphore, #tpu.memory_space<semaphore_mem>>) {add = true}
    %dma_start3A_212 = arith.constant 28 : i32
    %dma_start3A_213 = arith.constant 0 : i32
    %dma_start3A_214 = tpu.memref_slice %arg5[%dma_start3A_212, %dma_start3A_213] : memref<50x128xi32, #tpu.memory_space<vmem>> -> memref<1x128xi32, #tpu.memory_space<vmem>>
    %dma_start3A_215 = tpu.memref_squeeze %dma_start3A_214 : memref<1x128xi32, #tpu.memory_space<vmem>> -> memref<128xi32, #tpu.memory_space<vmem>>
    %dma_start3A_216 = arith.constant 0 : i32
    %dma_start3A_217 = arith.constant 0 : i32
    %dma_start3A_218 = tpu.memref_slice %arg3[%dma_start3A_216, %dma_start3A_217] : memref<100000x64xf32, #tpu.memory_space<hbm>> -> memref<100000x64xf32, #tpu.memory_space<hbm>>
    tpu.enqueue_indirect_dma source(%dma_start3A_218 : memref<100000x64xf32, #tpu.memory_space<hbm>>) target(%arg6 : memref<128x64xf32, #tpu.memory_space<vmem>>) offsets(%dma_start3A_215 : memref<128xi32, #tpu.memory_space<vmem>>) semaphore(%arg7 : memref<!tpu.dma_semaphore, #tpu.memory_space<semaphore_mem>>) {add = true}
    %dma_start3A_219 = arith.constant 29 : i32
    %dma_start3A_220 = arith.constant 0 : i32
    %dma_start3A_221 = tpu.memref_slice %arg5[%dma_start3A_219, %dma_start3A_220] : memref<50x128xi32, #tpu.memory_space<vmem>> -> memref<1x128xi32, #tpu.memory_space<vmem>>
    %dma_start3A_222 = tpu.memref_squeeze %dma_start3A_221 : memref<1x128xi32, #tpu.memory_space<vmem>> -> memref<128xi32, #tpu.memory_space<vmem>>
    %dma_start3A_223 = arith.constant 0 : i32
    %dma_start3A_224 = arith.constant 0 : i32
    %dma_start3A_225 = tpu.memref_slice %arg3[%dma_start3A_223, %dma_start3A_224] : memref<100000x64xf32, #tpu.memory_space<hbm>> -> memref<100000x64xf32, #tpu.memory_space<hbm>>
    tpu.enqueue_indirect_dma source(%dma_start3A_225 : memref<100000x64xf32, #tpu.memory_space<hbm>>) target(%arg6 : memref<128x64xf32, #tpu.memory_space<vmem>>) offsets(%dma_start3A_222 : memref<128xi32, #tpu.memory_space<vmem>>) semaphore(%arg7 : memref<!tpu.dma_semaphore, #tpu.memory_space<semaphore_mem>>) {add = true}
    %dma_start3A_226 = arith.constant 30 : i32
    %dma_start3A_227 = arith.constant 0 : i32
    %dma_start3A_228 = tpu.memref_slice %arg5[%dma_start3A_226, %dma_start3A_227] : memref<50x128xi32, #tpu.memory_space<vmem>> -> memref<1x128xi32, #tpu.memory_space<vmem>>
    %dma_start3A_229 = tpu.memref_squeeze %dma_start3A_228 : memref<1x128xi32, #tpu.memory_space<vmem>> -> memref<128xi32, #tpu.memory_space<vmem>>
    %dma_start3A_230 = arith.constant 0 : i32
    %dma_start3A_231 = arith.constant 0 : i32
    %dma_start3A_232 = tpu.memref_slice %arg3[%dma_start3A_230, %dma_start3A_231] : memref<100000x64xf32, #tpu.memory_space<hbm>> -> memref<100000x64xf32, #tpu.memory_space<hbm>>
    tpu.enqueue_indirect_dma source(%dma_start3A_232 : memref<100000x64xf32, #tpu.memory_space<hbm>>) target(%arg6 : memref<128x64xf32, #tpu.memory_space<vmem>>) offsets(%dma_start3A_229 : memref<128xi32, #tpu.memory_space<vmem>>) semaphore(%arg7 : memref<!tpu.dma_semaphore, #tpu.memory_space<semaphore_mem>>) {add = true}
    %dma_start3A_233 = arith.constant 31 : i32
    %dma_start3A_234 = arith.constant 0 : i32
    %dma_start3A_235 = tpu.memref_slice %arg5[%dma_start3A_233, %dma_start3A_234] : memref<50x128xi32, #tpu.memory_space<vmem>> -> memref<1x128xi32, #tpu.memory_space<vmem>>
    %dma_start3A_236 = tpu.memref_squeeze %dma_start3A_235 : memref<1x128xi32, #tpu.memory_space<vmem>> -> memref<128xi32, #tpu.memory_space<vmem>>
    %dma_start3A_237 = arith.constant 0 : i32
    %dma_start3A_238 = arith.constant 0 : i32
    %dma_start3A_239 = tpu.memref_slice %arg3[%dma_start3A_237, %dma_start3A_238] : memref<100000x64xf32, #tpu.memory_space<hbm>> -> memref<100000x64xf32, #tpu.memory_space<hbm>>
    tpu.enqueue_indirect_dma source(%dma_start3A_239 : memref<100000x64xf32, #tpu.memory_space<hbm>>) target(%arg6 : memref<128x64xf32, #tpu.memory_space<vmem>>) offsets(%dma_start3A_236 : memref<128xi32, #tpu.memory_space<vmem>>) semaphore(%arg7 : memref<!tpu.dma_semaphore, #tpu.memory_space<semaphore_mem>>) {add = true}
    %dma_start3A_240 = arith.constant 32 : i32
    %dma_start3A_241 = arith.constant 0 : i32
    %dma_start3A_242 = tpu.memref_slice %arg5[%dma_start3A_240, %dma_start3A_241] : memref<50x128xi32, #tpu.memory_space<vmem>> -> memref<1x128xi32, #tpu.memory_space<vmem>>
    %dma_start3A_243 = tpu.memref_squeeze %dma_start3A_242 : memref<1x128xi32, #tpu.memory_space<vmem>> -> memref<128xi32, #tpu.memory_space<vmem>>
    %dma_start3A_244 = arith.constant 0 : i32
    %dma_start3A_245 = arith.constant 0 : i32
    %dma_start3A_246 = tpu.memref_slice %arg3[%dma_start3A_244, %dma_start3A_245] : memref<100000x64xf32, #tpu.memory_space<hbm>> -> memref<100000x64xf32, #tpu.memory_space<hbm>>
    tpu.enqueue_indirect_dma source(%dma_start3A_246 : memref<100000x64xf32, #tpu.memory_space<hbm>>) target(%arg6 : memref<128x64xf32, #tpu.memory_space<vmem>>) offsets(%dma_start3A_243 : memref<128xi32, #tpu.memory_space<vmem>>) semaphore(%arg7 : memref<!tpu.dma_semaphore, #tpu.memory_space<semaphore_mem>>) {add = true}
    %dma_start3A_247 = arith.constant 33 : i32
    %dma_start3A_248 = arith.constant 0 : i32
    %dma_start3A_249 = tpu.memref_slice %arg5[%dma_start3A_247, %dma_start3A_248] : memref<50x128xi32, #tpu.memory_space<vmem>> -> memref<1x128xi32, #tpu.memory_space<vmem>>
    %dma_start3A_250 = tpu.memref_squeeze %dma_start3A_249 : memref<1x128xi32, #tpu.memory_space<vmem>> -> memref<128xi32, #tpu.memory_space<vmem>>
    %dma_start3A_251 = arith.constant 0 : i32
    %dma_start3A_252 = arith.constant 0 : i32
    %dma_start3A_253 = tpu.memref_slice %arg3[%dma_start3A_251, %dma_start3A_252] : memref<100000x64xf32, #tpu.memory_space<hbm>> -> memref<100000x64xf32, #tpu.memory_space<hbm>>
    tpu.enqueue_indirect_dma source(%dma_start3A_253 : memref<100000x64xf32, #tpu.memory_space<hbm>>) target(%arg6 : memref<128x64xf32, #tpu.memory_space<vmem>>) offsets(%dma_start3A_250 : memref<128xi32, #tpu.memory_space<vmem>>) semaphore(%arg7 : memref<!tpu.dma_semaphore, #tpu.memory_space<semaphore_mem>>) {add = true}
    %dma_start3A_254 = arith.constant 34 : i32
    %dma_start3A_255 = arith.constant 0 : i32
    %dma_start3A_256 = tpu.memref_slice %arg5[%dma_start3A_254, %dma_start3A_255] : memref<50x128xi32, #tpu.memory_space<vmem>> -> memref<1x128xi32, #tpu.memory_space<vmem>>
    %dma_start3A_257 = tpu.memref_squeeze %dma_start3A_256 : memref<1x128xi32, #tpu.memory_space<vmem>> -> memref<128xi32, #tpu.memory_space<vmem>>
    %dma_start3A_258 = arith.constant 0 : i32
    %dma_start3A_259 = arith.constant 0 : i32
    %dma_start3A_260 = tpu.memref_slice %arg3[%dma_start3A_258, %dma_start3A_259] : memref<100000x64xf32, #tpu.memory_space<hbm>> -> memref<100000x64xf32, #tpu.memory_space<hbm>>
    tpu.enqueue_indirect_dma source(%dma_start3A_260 : memref<100000x64xf32, #tpu.memory_space<hbm>>) target(%arg6 : memref<128x64xf32, #tpu.memory_space<vmem>>) offsets(%dma_start3A_257 : memref<128xi32, #tpu.memory_space<vmem>>) semaphore(%arg7 : memref<!tpu.dma_semaphore, #tpu.memory_space<semaphore_mem>>) {add = true}
    %dma_start3A_261 = arith.constant 35 : i32
    %dma_start3A_262 = arith.constant 0 : i32
    %dma_start3A_263 = tpu.memref_slice %arg5[%dma_start3A_261, %dma_start3A_262] : memref<50x128xi32, #tpu.memory_space<vmem>> -> memref<1x128xi32, #tpu.memory_space<vmem>>
    %dma_start3A_264 = tpu.memref_squeeze %dma_start3A_263 : memref<1x128xi32, #tpu.memory_space<vmem>> -> memref<128xi32, #tpu.memory_space<vmem>>
    %dma_start3A_265 = arith.constant 0 : i32
    %dma_start3A_266 = arith.constant 0 : i32
    %dma_start3A_267 = tpu.memref_slice %arg3[%dma_start3A_265, %dma_start3A_266] : memref<100000x64xf32, #tpu.memory_space<hbm>> -> memref<100000x64xf32, #tpu.memory_space<hbm>>
    tpu.enqueue_indirect_dma source(%dma_start3A_267 : memref<100000x64xf32, #tpu.memory_space<hbm>>) target(%arg6 : memref<128x64xf32, #tpu.memory_space<vmem>>) offsets(%dma_start3A_264 : memref<128xi32, #tpu.memory_space<vmem>>) semaphore(%arg7 : memref<!tpu.dma_semaphore, #tpu.memory_space<semaphore_mem>>) {add = true}
    %dma_start3A_268 = arith.constant 36 : i32
    %dma_start3A_269 = arith.constant 0 : i32
    %dma_start3A_270 = tpu.memref_slice %arg5[%dma_start3A_268, %dma_start3A_269] : memref<50x128xi32, #tpu.memory_space<vmem>> -> memref<1x128xi32, #tpu.memory_space<vmem>>
    %dma_start3A_271 = tpu.memref_squeeze %dma_start3A_270 : memref<1x128xi32, #tpu.memory_space<vmem>> -> memref<128xi32, #tpu.memory_space<vmem>>
    %dma_start3A_272 = arith.constant 0 : i32
    %dma_start3A_273 = arith.constant 0 : i32
    %dma_start3A_274 = tpu.memref_slice %arg3[%dma_start3A_272, %dma_start3A_273] : memref<100000x64xf32, #tpu.memory_space<hbm>> -> memref<100000x64xf32, #tpu.memory_space<hbm>>
    tpu.enqueue_indirect_dma source(%dma_start3A_274 : memref<100000x64xf32, #tpu.memory_space<hbm>>) target(%arg6 : memref<128x64xf32, #tpu.memory_space<vmem>>) offsets(%dma_start3A_271 : memref<128xi32, #tpu.memory_space<vmem>>) semaphore(%arg7 : memref<!tpu.dma_semaphore, #tpu.memory_space<semaphore_mem>>) {add = true}
    %dma_start3A_275 = arith.constant 37 : i32
    %dma_start3A_276 = arith.constant 0 : i32
    %dma_start3A_277 = tpu.memref_slice %arg5[%dma_start3A_275, %dma_start3A_276] : memref<50x128xi32, #tpu.memory_space<vmem>> -> memref<1x128xi32, #tpu.memory_space<vmem>>
    %dma_start3A_278 = tpu.memref_squeeze %dma_start3A_277 : memref<1x128xi32, #tpu.memory_space<vmem>> -> memref<128xi32, #tpu.memory_space<vmem>>
    %dma_start3A_279 = arith.constant 0 : i32
    %dma_start3A_280 = arith.constant 0 : i32
    %dma_start3A_281 = tpu.memref_slice %arg3[%dma_start3A_279, %dma_start3A_280] : memref<100000x64xf32, #tpu.memory_space<hbm>> -> memref<100000x64xf32, #tpu.memory_space<hbm>>
    tpu.enqueue_indirect_dma source(%dma_start3A_281 : memref<100000x64xf32, #tpu.memory_space<hbm>>) target(%arg6 : memref<128x64xf32, #tpu.memory_space<vmem>>) offsets(%dma_start3A_278 : memref<128xi32, #tpu.memory_space<vmem>>) semaphore(%arg7 : memref<!tpu.dma_semaphore, #tpu.memory_space<semaphore_mem>>) {add = true}
    %dma_start3A_282 = arith.constant 38 : i32
    %dma_start3A_283 = arith.constant 0 : i32
    %dma_start3A_284 = tpu.memref_slice %arg5[%dma_start3A_282, %dma_start3A_283] : memref<50x128xi32, #tpu.memory_space<vmem>> -> memref<1x128xi32, #tpu.memory_space<vmem>>
    %dma_start3A_285 = tpu.memref_squeeze %dma_start3A_284 : memref<1x128xi32, #tpu.memory_space<vmem>> -> memref<128xi32, #tpu.memory_space<vmem>>
    %dma_start3A_286 = arith.constant 0 : i32
    %dma_start3A_287 = arith.constant 0 : i32
    %dma_start3A_288 = tpu.memref_slice %arg3[%dma_start3A_286, %dma_start3A_287] : memref<100000x64xf32, #tpu.memory_space<hbm>> -> memref<100000x64xf32, #tpu.memory_space<hbm>>
    tpu.enqueue_indirect_dma source(%dma_start3A_288 : memref<100000x64xf32, #tpu.memory_space<hbm>>) target(%arg6 : memref<128x64xf32, #tpu.memory_space<vmem>>) offsets(%dma_start3A_285 : memref<128xi32, #tpu.memory_space<vmem>>) semaphore(%arg7 : memref<!tpu.dma_semaphore, #tpu.memory_space<semaphore_mem>>) {add = true}
    %dma_start3A_289 = arith.constant 39 : i32
    %dma_start3A_290 = arith.constant 0 : i32
    %dma_start3A_291 = tpu.memref_slice %arg5[%dma_start3A_289, %dma_start3A_290] : memref<50x128xi32, #tpu.memory_space<vmem>> -> memref<1x128xi32, #tpu.memory_space<vmem>>
    %dma_start3A_292 = tpu.memref_squeeze %dma_start3A_291 : memref<1x128xi32, #tpu.memory_space<vmem>> -> memref<128xi32, #tpu.memory_space<vmem>>
    %dma_start3A_293 = arith.constant 0 : i32
    %dma_start3A_294 = arith.constant 0 : i32
    %dma_start3A_295 = tpu.memref_slice %arg3[%dma_start3A_293, %dma_start3A_294] : memref<100000x64xf32, #tpu.memory_space<hbm>> -> memref<100000x64xf32, #tpu.memory_space<hbm>>
    tpu.enqueue_indirect_dma source(%dma_start3A_295 : memref<100000x64xf32, #tpu.memory_space<hbm>>) target(%arg6 : memref<128x64xf32, #tpu.memory_space<vmem>>) offsets(%dma_start3A_292 : memref<128xi32, #tpu.memory_space<vmem>>) semaphore(%arg7 : memref<!tpu.dma_semaphore, #tpu.memory_space<semaphore_mem>>) {add = true}
    %dma_start3A_296 = arith.constant 40 : i32
    %dma_start3A_297 = arith.constant 0 : i32
    %dma_start3A_298 = tpu.memref_slice %arg5[%dma_start3A_296, %dma_start3A_297] : memref<50x128xi32, #tpu.memory_space<vmem>> -> memref<1x128xi32, #tpu.memory_space<vmem>>
    %dma_start3A_299 = tpu.memref_squeeze %dma_start3A_298 : memref<1x128xi32, #tpu.memory_space<vmem>> -> memref<128xi32, #tpu.memory_space<vmem>>
    %dma_start3A_300 = arith.constant 0 : i32
    %dma_start3A_301 = arith.constant 0 : i32
    %dma_start3A_302 = tpu.memref_slice %arg3[%dma_start3A_300, %dma_start3A_301] : memref<100000x64xf32, #tpu.memory_space<hbm>> -> memref<100000x64xf32, #tpu.memory_space<hbm>>
    tpu.enqueue_indirect_dma source(%dma_start3A_302 : memref<100000x64xf32, #tpu.memory_space<hbm>>) target(%arg6 : memref<128x64xf32, #tpu.memory_space<vmem>>) offsets(%dma_start3A_299 : memref<128xi32, #tpu.memory_space<vmem>>) semaphore(%arg7 : memref<!tpu.dma_semaphore, #tpu.memory_space<semaphore_mem>>) {add = true}
    %dma_start3A_303 = arith.constant 41 : i32
    %dma_start3A_304 = arith.constant 0 : i32
    %dma_start3A_305 = tpu.memref_slice %arg5[%dma_start3A_303, %dma_start3A_304] : memref<50x128xi32, #tpu.memory_space<vmem>> -> memref<1x128xi32, #tpu.memory_space<vmem>>
    %dma_start3A_306 = tpu.memref_squeeze %dma_start3A_305 : memref<1x128xi32, #tpu.memory_space<vmem>> -> memref<128xi32, #tpu.memory_space<vmem>>
    %dma_start3A_307 = arith.constant 0 : i32
    %dma_start3A_308 = arith.constant 0 : i32
    %dma_start3A_309 = tpu.memref_slice %arg3[%dma_start3A_307, %dma_start3A_308] : memref<100000x64xf32, #tpu.memory_space<hbm>> -> memref<100000x64xf32, #tpu.memory_space<hbm>>
    tpu.enqueue_indirect_dma source(%dma_start3A_309 : memref<100000x64xf32, #tpu.memory_space<hbm>>) target(%arg6 : memref<128x64xf32, #tpu.memory_space<vmem>>) offsets(%dma_start3A_306 : memref<128xi32, #tpu.memory_space<vmem>>) semaphore(%arg7 : memref<!tpu.dma_semaphore, #tpu.memory_space<semaphore_mem>>) {add = true}
    %dma_start3A_310 = arith.constant 42 : i32
    %dma_start3A_311 = arith.constant 0 : i32
    %dma_start3A_312 = tpu.memref_slice %arg5[%dma_start3A_310, %dma_start3A_311] : memref<50x128xi32, #tpu.memory_space<vmem>> -> memref<1x128xi32, #tpu.memory_space<vmem>>
    %dma_start3A_313 = tpu.memref_squeeze %dma_start3A_312 : memref<1x128xi32, #tpu.memory_space<vmem>> -> memref<128xi32, #tpu.memory_space<vmem>>
    %dma_start3A_314 = arith.constant 0 : i32
    %dma_start3A_315 = arith.constant 0 : i32
    %dma_start3A_316 = tpu.memref_slice %arg3[%dma_start3A_314, %dma_start3A_315] : memref<100000x64xf32, #tpu.memory_space<hbm>> -> memref<100000x64xf32, #tpu.memory_space<hbm>>
    tpu.enqueue_indirect_dma source(%dma_start3A_316 : memref<100000x64xf32, #tpu.memory_space<hbm>>) target(%arg6 : memref<128x64xf32, #tpu.memory_space<vmem>>) offsets(%dma_start3A_313 : memref<128xi32, #tpu.memory_space<vmem>>) semaphore(%arg7 : memref<!tpu.dma_semaphore, #tpu.memory_space<semaphore_mem>>) {add = true}
    %dma_start3A_317 = arith.constant 43 : i32
    %dma_start3A_318 = arith.constant 0 : i32
    %dma_start3A_319 = tpu.memref_slice %arg5[%dma_start3A_317, %dma_start3A_318] : memref<50x128xi32, #tpu.memory_space<vmem>> -> memref<1x128xi32, #tpu.memory_space<vmem>>
    %dma_start3A_320 = tpu.memref_squeeze %dma_start3A_319 : memref<1x128xi32, #tpu.memory_space<vmem>> -> memref<128xi32, #tpu.memory_space<vmem>>
    %dma_start3A_321 = arith.constant 0 : i32
    %dma_start3A_322 = arith.constant 0 : i32
    %dma_start3A_323 = tpu.memref_slice %arg3[%dma_start3A_321, %dma_start3A_322] : memref<100000x64xf32, #tpu.memory_space<hbm>> -> memref<100000x64xf32, #tpu.memory_space<hbm>>
    tpu.enqueue_indirect_dma source(%dma_start3A_323 : memref<100000x64xf32, #tpu.memory_space<hbm>>) target(%arg6 : memref<128x64xf32, #tpu.memory_space<vmem>>) offsets(%dma_start3A_320 : memref<128xi32, #tpu.memory_space<vmem>>) semaphore(%arg7 : memref<!tpu.dma_semaphore, #tpu.memory_space<semaphore_mem>>) {add = true}
    %dma_start3A_324 = arith.constant 44 : i32
    %dma_start3A_325 = arith.constant 0 : i32
    %dma_start3A_326 = tpu.memref_slice %arg5[%dma_start3A_324, %dma_start3A_325] : memref<50x128xi32, #tpu.memory_space<vmem>> -> memref<1x128xi32, #tpu.memory_space<vmem>>
    %dma_start3A_327 = tpu.memref_squeeze %dma_start3A_326 : memref<1x128xi32, #tpu.memory_space<vmem>> -> memref<128xi32, #tpu.memory_space<vmem>>
    %dma_start3A_328 = arith.constant 0 : i32
    %dma_start3A_329 = arith.constant 0 : i32
    %dma_start3A_330 = tpu.memref_slice %arg3[%dma_start3A_328, %dma_start3A_329] : memref<100000x64xf32, #tpu.memory_space<hbm>> -> memref<100000x64xf32, #tpu.memory_space<hbm>>
    tpu.enqueue_indirect_dma source(%dma_start3A_330 : memref<100000x64xf32, #tpu.memory_space<hbm>>) target(%arg6 : memref<128x64xf32, #tpu.memory_space<vmem>>) offsets(%dma_start3A_327 : memref<128xi32, #tpu.memory_space<vmem>>) semaphore(%arg7 : memref<!tpu.dma_semaphore, #tpu.memory_space<semaphore_mem>>) {add = true}
    %dma_start3A_331 = arith.constant 45 : i32
    %dma_start3A_332 = arith.constant 0 : i32
    %dma_start3A_333 = tpu.memref_slice %arg5[%dma_start3A_331, %dma_start3A_332] : memref<50x128xi32, #tpu.memory_space<vmem>> -> memref<1x128xi32, #tpu.memory_space<vmem>>
    %dma_start3A_334 = tpu.memref_squeeze %dma_start3A_333 : memref<1x128xi32, #tpu.memory_space<vmem>> -> memref<128xi32, #tpu.memory_space<vmem>>
    %dma_start3A_335 = arith.constant 0 : i32
    %dma_start3A_336 = arith.constant 0 : i32
    %dma_start3A_337 = tpu.memref_slice %arg3[%dma_start3A_335, %dma_start3A_336] : memref<100000x64xf32, #tpu.memory_space<hbm>> -> memref<100000x64xf32, #tpu.memory_space<hbm>>
    tpu.enqueue_indirect_dma source(%dma_start3A_337 : memref<100000x64xf32, #tpu.memory_space<hbm>>) target(%arg6 : memref<128x64xf32, #tpu.memory_space<vmem>>) offsets(%dma_start3A_334 : memref<128xi32, #tpu.memory_space<vmem>>) semaphore(%arg7 : memref<!tpu.dma_semaphore, #tpu.memory_space<semaphore_mem>>) {add = true}
    %dma_start3A_338 = arith.constant 46 : i32
    %dma_start3A_339 = arith.constant 0 : i32
    %dma_start3A_340 = tpu.memref_slice %arg5[%dma_start3A_338, %dma_start3A_339] : memref<50x128xi32, #tpu.memory_space<vmem>> -> memref<1x128xi32, #tpu.memory_space<vmem>>
    %dma_start3A_341 = tpu.memref_squeeze %dma_start3A_340 : memref<1x128xi32, #tpu.memory_space<vmem>> -> memref<128xi32, #tpu.memory_space<vmem>>
    %dma_start3A_342 = arith.constant 0 : i32
    %dma_start3A_343 = arith.constant 0 : i32
    %dma_start3A_344 = tpu.memref_slice %arg3[%dma_start3A_342, %dma_start3A_343] : memref<100000x64xf32, #tpu.memory_space<hbm>> -> memref<100000x64xf32, #tpu.memory_space<hbm>>
    tpu.enqueue_indirect_dma source(%dma_start3A_344 : memref<100000x64xf32, #tpu.memory_space<hbm>>) target(%arg6 : memref<128x64xf32, #tpu.memory_space<vmem>>) offsets(%dma_start3A_341 : memref<128xi32, #tpu.memory_space<vmem>>) semaphore(%arg7 : memref<!tpu.dma_semaphore, #tpu.memory_space<semaphore_mem>>) {add = true}
    %dma_start3A_345 = arith.constant 47 : i32
    %dma_start3A_346 = arith.constant 0 : i32
    %dma_start3A_347 = tpu.memref_slice %arg5[%dma_start3A_345, %dma_start3A_346] : memref<50x128xi32, #tpu.memory_space<vmem>> -> memref<1x128xi32, #tpu.memory_space<vmem>>
    %dma_start3A_348 = tpu.memref_squeeze %dma_start3A_347 : memref<1x128xi32, #tpu.memory_space<vmem>> -> memref<128xi32, #tpu.memory_space<vmem>>
    %dma_start3A_349 = arith.constant 0 : i32
    %dma_start3A_350 = arith.constant 0 : i32
    %dma_start3A_351 = tpu.memref_slice %arg3[%dma_start3A_349, %dma_start3A_350] : memref<100000x64xf32, #tpu.memory_space<hbm>> -> memref<100000x64xf32, #tpu.memory_space<hbm>>
    tpu.enqueue_indirect_dma source(%dma_start3A_351 : memref<100000x64xf32, #tpu.memory_space<hbm>>) target(%arg6 : memref<128x64xf32, #tpu.memory_space<vmem>>) offsets(%dma_start3A_348 : memref<128xi32, #tpu.memory_space<vmem>>) semaphore(%arg7 : memref<!tpu.dma_semaphore, #tpu.memory_space<semaphore_mem>>) {add = true}
    %dma_start3A_352 = arith.constant 48 : i32
    %dma_start3A_353 = arith.constant 0 : i32
    %dma_start3A_354 = tpu.memref_slice %arg5[%dma_start3A_352, %dma_start3A_353] : memref<50x128xi32, #tpu.memory_space<vmem>> -> memref<1x128xi32, #tpu.memory_space<vmem>>
    %dma_start3A_355 = tpu.memref_squeeze %dma_start3A_354 : memref<1x128xi32, #tpu.memory_space<vmem>> -> memref<128xi32, #tpu.memory_space<vmem>>
    %dma_start3A_356 = arith.constant 0 : i32
    %dma_start3A_357 = arith.constant 0 : i32
    %dma_start3A_358 = tpu.memref_slice %arg3[%dma_start3A_356, %dma_start3A_357] : memref<100000x64xf32, #tpu.memory_space<hbm>> -> memref<100000x64xf32, #tpu.memory_space<hbm>>
    tpu.enqueue_indirect_dma source(%dma_start3A_358 : memref<100000x64xf32, #tpu.memory_space<hbm>>) target(%arg6 : memref<128x64xf32, #tpu.memory_space<vmem>>) offsets(%dma_start3A_355 : memref<128xi32, #tpu.memory_space<vmem>>) semaphore(%arg7 : memref<!tpu.dma_semaphore, #tpu.memory_space<semaphore_mem>>) {add = true}
    %dma_start3A_359 = arith.constant 49 : i32
    %dma_start3A_360 = arith.constant 0 : i32
    %dma_start3A_361 = tpu.memref_slice %arg5[%dma_start3A_359, %dma_start3A_360] : memref<50x128xi32, #tpu.memory_space<vmem>> -> memref<1x128xi32, #tpu.memory_space<vmem>>
    %dma_start3A_362 = tpu.memref_squeeze %dma_start3A_361 : memref<1x128xi32, #tpu.memory_space<vmem>> -> memref<128xi32, #tpu.memory_space<vmem>>
    %dma_start3A_363 = arith.constant 0 : i32
    %dma_start3A_364 = arith.constant 0 : i32
    %dma_start3A_365 = tpu.memref_slice %arg3[%dma_start3A_363, %dma_start3A_364] : memref<100000x64xf32, #tpu.memory_space<hbm>> -> memref<100000x64xf32, #tpu.memory_space<hbm>>
    tpu.enqueue_indirect_dma source(%dma_start3A_365 : memref<100000x64xf32, #tpu.memory_space<hbm>>) target(%arg6 : memref<128x64xf32, #tpu.memory_space<vmem>>) offsets(%dma_start3A_362 : memref<128xi32, #tpu.memory_space<vmem>>) semaphore(%arg7 : memref<!tpu.dma_semaphore, #tpu.memory_space<semaphore_mem>>) {add = true}
    %dma_wait3A_366 = arith.constant 0 : i32
    %dma_wait3A_367 = arith.constant 0 : i32
    %dma_wait3A_368 = tpu.memref_slice %arg5[%dma_wait3A_366, %dma_wait3A_367] : memref<50x128xi32, #tpu.memory_space<vmem>> -> memref<1x128xi32, #tpu.memory_space<vmem>>
    %dma_wait3A_369 = tpu.memref_squeeze %dma_wait3A_368 : memref<1x128xi32, #tpu.memory_space<vmem>> -> memref<128xi32, #tpu.memory_space<vmem>>
    %dma_wait3A_370 = arith.constant 0 : i32
    %dma_wait3A_371 = arith.constant 0 : i32
    %dma_wait3A_372 = tpu.memref_slice %arg3[%dma_wait3A_370, %dma_wait3A_371] : memref<100000x64xf32, #tpu.memory_space<hbm>> -> memref<100000x64xf32, #tpu.memory_space<hbm>>
    tpu.wait_indirect_dma semaphore(%arg7 : memref<!tpu.dma_semaphore, #tpu.memory_space<semaphore_mem>>) src(%dma_wait3A_372 : memref<100000x64xf32, #tpu.memory_space<hbm>>) dst(%arg6 : memref<128x64xf32, #tpu.memory_space<vmem>>)
    %dma_wait3A_373 = arith.constant 1 : i32
    %dma_wait3A_374 = arith.constant 0 : i32
    %dma_wait3A_375 = tpu.memref_slice %arg5[%dma_wait3A_373, %dma_wait3A_374] : memref<50x128xi32, #tpu.memory_space<vmem>> -> memref<1x128xi32, #tpu.memory_space<vmem>>
    %dma_wait3A_376 = tpu.memref_squeeze %dma_wait3A_375 : memref<1x128xi32, #tpu.memory_space<vmem>> -> memref<128xi32, #tpu.memory_space<vmem>>
    %dma_wait3A_377 = arith.constant 0 : i32
    %dma_wait3A_378 = arith.constant 0 : i32
    %dma_wait3A_379 = tpu.memref_slice %arg3[%dma_wait3A_377, %dma_wait3A_378] : memref<100000x64xf32, #tpu.memory_space<hbm>> -> memref<100000x64xf32, #tpu.memory_space<hbm>>
    tpu.wait_indirect_dma semaphore(%arg7 : memref<!tpu.dma_semaphore, #tpu.memory_space<semaphore_mem>>) src(%dma_wait3A_379 : memref<100000x64xf32, #tpu.memory_space<hbm>>) dst(%arg6 : memref<128x64xf32, #tpu.memory_space<vmem>>)
    %dma_wait3A_380 = arith.constant 2 : i32
    %dma_wait3A_381 = arith.constant 0 : i32
    %dma_wait3A_382 = tpu.memref_slice %arg5[%dma_wait3A_380, %dma_wait3A_381] : memref<50x128xi32, #tpu.memory_space<vmem>> -> memref<1x128xi32, #tpu.memory_space<vmem>>
    %dma_wait3A_383 = tpu.memref_squeeze %dma_wait3A_382 : memref<1x128xi32, #tpu.memory_space<vmem>> -> memref<128xi32, #tpu.memory_space<vmem>>
    %dma_wait3A_384 = arith.constant 0 : i32
    %dma_wait3A_385 = arith.constant 0 : i32
    %dma_wait3A_386 = tpu.memref_slice %arg3[%dma_wait3A_384, %dma_wait3A_385] : memref<100000x64xf32, #tpu.memory_space<hbm>> -> memref<100000x64xf32, #tpu.memory_space<hbm>>
    tpu.wait_indirect_dma semaphore(%arg7 : memref<!tpu.dma_semaphore, #tpu.memory_space<semaphore_mem>>) src(%dma_wait3A_386 : memref<100000x64xf32, #tpu.memory_space<hbm>>) dst(%arg6 : memref<128x64xf32, #tpu.memory_space<vmem>>)
    %dma_wait3A_387 = arith.constant 3 : i32
    %dma_wait3A_388 = arith.constant 0 : i32
    %dma_wait3A_389 = tpu.memref_slice %arg5[%dma_wait3A_387, %dma_wait3A_388] : memref<50x128xi32, #tpu.memory_space<vmem>> -> memref<1x128xi32, #tpu.memory_space<vmem>>
    %dma_wait3A_390 = tpu.memref_squeeze %dma_wait3A_389 : memref<1x128xi32, #tpu.memory_space<vmem>> -> memref<128xi32, #tpu.memory_space<vmem>>
    %dma_wait3A_391 = arith.constant 0 : i32
    %dma_wait3A_392 = arith.constant 0 : i32
    %dma_wait3A_393 = tpu.memref_slice %arg3[%dma_wait3A_391, %dma_wait3A_392] : memref<100000x64xf32, #tpu.memory_space<hbm>> -> memref<100000x64xf32, #tpu.memory_space<hbm>>
    tpu.wait_indirect_dma semaphore(%arg7 : memref<!tpu.dma_semaphore, #tpu.memory_space<semaphore_mem>>) src(%dma_wait3A_393 : memref<100000x64xf32, #tpu.memory_space<hbm>>) dst(%arg6 : memref<128x64xf32, #tpu.memory_space<vmem>>)
    %dma_wait3A_394 = arith.constant 4 : i32
    %dma_wait3A_395 = arith.constant 0 : i32
    %dma_wait3A_396 = tpu.memref_slice %arg5[%dma_wait3A_394, %dma_wait3A_395] : memref<50x128xi32, #tpu.memory_space<vmem>> -> memref<1x128xi32, #tpu.memory_space<vmem>>
    %dma_wait3A_397 = tpu.memref_squeeze %dma_wait3A_396 : memref<1x128xi32, #tpu.memory_space<vmem>> -> memref<128xi32, #tpu.memory_space<vmem>>
    %dma_wait3A_398 = arith.constant 0 : i32
    %dma_wait3A_399 = arith.constant 0 : i32
    %dma_wait3A_400 = tpu.memref_slice %arg3[%dma_wait3A_398, %dma_wait3A_399] : memref<100000x64xf32, #tpu.memory_space<hbm>> -> memref<100000x64xf32, #tpu.memory_space<hbm>>
    tpu.wait_indirect_dma semaphore(%arg7 : memref<!tpu.dma_semaphore, #tpu.memory_space<semaphore_mem>>) src(%dma_wait3A_400 : memref<100000x64xf32, #tpu.memory_space<hbm>>) dst(%arg6 : memref<128x64xf32, #tpu.memory_space<vmem>>)
    %dma_wait3A_401 = arith.constant 5 : i32
    %dma_wait3A_402 = arith.constant 0 : i32
    %dma_wait3A_403 = tpu.memref_slice %arg5[%dma_wait3A_401, %dma_wait3A_402] : memref<50x128xi32, #tpu.memory_space<vmem>> -> memref<1x128xi32, #tpu.memory_space<vmem>>
    %dma_wait3A_404 = tpu.memref_squeeze %dma_wait3A_403 : memref<1x128xi32, #tpu.memory_space<vmem>> -> memref<128xi32, #tpu.memory_space<vmem>>
    %dma_wait3A_405 = arith.constant 0 : i32
    %dma_wait3A_406 = arith.constant 0 : i32
    %dma_wait3A_407 = tpu.memref_slice %arg3[%dma_wait3A_405, %dma_wait3A_406] : memref<100000x64xf32, #tpu.memory_space<hbm>> -> memref<100000x64xf32, #tpu.memory_space<hbm>>
    tpu.wait_indirect_dma semaphore(%arg7 : memref<!tpu.dma_semaphore, #tpu.memory_space<semaphore_mem>>) src(%dma_wait3A_407 : memref<100000x64xf32, #tpu.memory_space<hbm>>) dst(%arg6 : memref<128x64xf32, #tpu.memory_space<vmem>>)
    %dma_wait3A_408 = arith.constant 6 : i32
    %dma_wait3A_409 = arith.constant 0 : i32
    %dma_wait3A_410 = tpu.memref_slice %arg5[%dma_wait3A_408, %dma_wait3A_409] : memref<50x128xi32, #tpu.memory_space<vmem>> -> memref<1x128xi32, #tpu.memory_space<vmem>>
    %dma_wait3A_411 = tpu.memref_squeeze %dma_wait3A_410 : memref<1x128xi32, #tpu.memory_space<vmem>> -> memref<128xi32, #tpu.memory_space<vmem>>
    %dma_wait3A_412 = arith.constant 0 : i32
    %dma_wait3A_413 = arith.constant 0 : i32
    %dma_wait3A_414 = tpu.memref_slice %arg3[%dma_wait3A_412, %dma_wait3A_413] : memref<100000x64xf32, #tpu.memory_space<hbm>> -> memref<100000x64xf32, #tpu.memory_space<hbm>>
    tpu.wait_indirect_dma semaphore(%arg7 : memref<!tpu.dma_semaphore, #tpu.memory_space<semaphore_mem>>) src(%dma_wait3A_414 : memref<100000x64xf32, #tpu.memory_space<hbm>>) dst(%arg6 : memref<128x64xf32, #tpu.memory_space<vmem>>)
    %dma_wait3A_415 = arith.constant 7 : i32
    %dma_wait3A_416 = arith.constant 0 : i32
    %dma_wait3A_417 = tpu.memref_slice %arg5[%dma_wait3A_415, %dma_wait3A_416] : memref<50x128xi32, #tpu.memory_space<vmem>> -> memref<1x128xi32, #tpu.memory_space<vmem>>
    %dma_wait3A_418 = tpu.memref_squeeze %dma_wait3A_417 : memref<1x128xi32, #tpu.memory_space<vmem>> -> memref<128xi32, #tpu.memory_space<vmem>>
    %dma_wait3A_419 = arith.constant 0 : i32
    %dma_wait3A_420 = arith.constant 0 : i32
    %dma_wait3A_421 = tpu.memref_slice %arg3[%dma_wait3A_419, %dma_wait3A_420] : memref<100000x64xf32, #tpu.memory_space<hbm>> -> memref<100000x64xf32, #tpu.memory_space<hbm>>
    tpu.wait_indirect_dma semaphore(%arg7 : memref<!tpu.dma_semaphore, #tpu.memory_space<semaphore_mem>>) src(%dma_wait3A_421 : memref<100000x64xf32, #tpu.memory_space<hbm>>) dst(%arg6 : memref<128x64xf32, #tpu.memory_space<vmem>>)
    %dma_wait3A_422 = arith.constant 8 : i32
    %dma_wait3A_423 = arith.constant 0 : i32
    %dma_wait3A_424 = tpu.memref_slice %arg5[%dma_wait3A_422, %dma_wait3A_423] : memref<50x128xi32, #tpu.memory_space<vmem>> -> memref<1x128xi32, #tpu.memory_space<vmem>>
    %dma_wait3A_425 = tpu.memref_squeeze %dma_wait3A_424 : memref<1x128xi32, #tpu.memory_space<vmem>> -> memref<128xi32, #tpu.memory_space<vmem>>
    %dma_wait3A_426 = arith.constant 0 : i32
    %dma_wait3A_427 = arith.constant 0 : i32
    %dma_wait3A_428 = tpu.memref_slice %arg3[%dma_wait3A_426, %dma_wait3A_427] : memref<100000x64xf32, #tpu.memory_space<hbm>> -> memref<100000x64xf32, #tpu.memory_space<hbm>>
    tpu.wait_indirect_dma semaphore(%arg7 : memref<!tpu.dma_semaphore, #tpu.memory_space<semaphore_mem>>) src(%dma_wait3A_428 : memref<100000x64xf32, #tpu.memory_space<hbm>>) dst(%arg6 : memref<128x64xf32, #tpu.memory_space<vmem>>)
    %dma_wait3A_429 = arith.constant 9 : i32
    %dma_wait3A_430 = arith.constant 0 : i32
    %dma_wait3A_431 = tpu.memref_slice %arg5[%dma_wait3A_429, %dma_wait3A_430] : memref<50x128xi32, #tpu.memory_space<vmem>> -> memref<1x128xi32, #tpu.memory_space<vmem>>
    %dma_wait3A_432 = tpu.memref_squeeze %dma_wait3A_431 : memref<1x128xi32, #tpu.memory_space<vmem>> -> memref<128xi32, #tpu.memory_space<vmem>>
    %dma_wait3A_433 = arith.constant 0 : i32
    %dma_wait3A_434 = arith.constant 0 : i32
    %dma_wait3A_435 = tpu.memref_slice %arg3[%dma_wait3A_433, %dma_wait3A_434] : memref<100000x64xf32, #tpu.memory_space<hbm>> -> memref<100000x64xf32, #tpu.memory_space<hbm>>
    tpu.wait_indirect_dma semaphore(%arg7 : memref<!tpu.dma_semaphore, #tpu.memory_space<semaphore_mem>>) src(%dma_wait3A_435 : memref<100000x64xf32, #tpu.memory_space<hbm>>) dst(%arg6 : memref<128x64xf32, #tpu.memory_space<vmem>>)
    %dma_wait3A_436 = arith.constant 10 : i32
    %dma_wait3A_437 = arith.constant 0 : i32
    %dma_wait3A_438 = tpu.memref_slice %arg5[%dma_wait3A_436, %dma_wait3A_437] : memref<50x128xi32, #tpu.memory_space<vmem>> -> memref<1x128xi32, #tpu.memory_space<vmem>>
    %dma_wait3A_439 = tpu.memref_squeeze %dma_wait3A_438 : memref<1x128xi32, #tpu.memory_space<vmem>> -> memref<128xi32, #tpu.memory_space<vmem>>
    %dma_wait3A_440 = arith.constant 0 : i32
    %dma_wait3A_441 = arith.constant 0 : i32
    %dma_wait3A_442 = tpu.memref_slice %arg3[%dma_wait3A_440, %dma_wait3A_441] : memref<100000x64xf32, #tpu.memory_space<hbm>> -> memref<100000x64xf32, #tpu.memory_space<hbm>>
    tpu.wait_indirect_dma semaphore(%arg7 : memref<!tpu.dma_semaphore, #tpu.memory_space<semaphore_mem>>) src(%dma_wait3A_442 : memref<100000x64xf32, #tpu.memory_space<hbm>>) dst(%arg6 : memref<128x64xf32, #tpu.memory_space<vmem>>)
    %dma_wait3A_443 = arith.constant 11 : i32
    %dma_wait3A_444 = arith.constant 0 : i32
    %dma_wait3A_445 = tpu.memref_slice %arg5[%dma_wait3A_443, %dma_wait3A_444] : memref<50x128xi32, #tpu.memory_space<vmem>> -> memref<1x128xi32, #tpu.memory_space<vmem>>
    %dma_wait3A_446 = tpu.memref_squeeze %dma_wait3A_445 : memref<1x128xi32, #tpu.memory_space<vmem>> -> memref<128xi32, #tpu.memory_space<vmem>>
    %dma_wait3A_447 = arith.constant 0 : i32
    %dma_wait3A_448 = arith.constant 0 : i32
    %dma_wait3A_449 = tpu.memref_slice %arg3[%dma_wait3A_447, %dma_wait3A_448] : memref<100000x64xf32, #tpu.memory_space<hbm>> -> memref<100000x64xf32, #tpu.memory_space<hbm>>
    tpu.wait_indirect_dma semaphore(%arg7 : memref<!tpu.dma_semaphore, #tpu.memory_space<semaphore_mem>>) src(%dma_wait3A_449 : memref<100000x64xf32, #tpu.memory_space<hbm>>) dst(%arg6 : memref<128x64xf32, #tpu.memory_space<vmem>>)
    %dma_wait3A_450 = arith.constant 12 : i32
    %dma_wait3A_451 = arith.constant 0 : i32
    %dma_wait3A_452 = tpu.memref_slice %arg5[%dma_wait3A_450, %dma_wait3A_451] : memref<50x128xi32, #tpu.memory_space<vmem>> -> memref<1x128xi32, #tpu.memory_space<vmem>>
    %dma_wait3A_453 = tpu.memref_squeeze %dma_wait3A_452 : memref<1x128xi32, #tpu.memory_space<vmem>> -> memref<128xi32, #tpu.memory_space<vmem>>
    %dma_wait3A_454 = arith.constant 0 : i32
    %dma_wait3A_455 = arith.constant 0 : i32
    %dma_wait3A_456 = tpu.memref_slice %arg3[%dma_wait3A_454, %dma_wait3A_455] : memref<100000x64xf32, #tpu.memory_space<hbm>> -> memref<100000x64xf32, #tpu.memory_space<hbm>>
    tpu.wait_indirect_dma semaphore(%arg7 : memref<!tpu.dma_semaphore, #tpu.memory_space<semaphore_mem>>) src(%dma_wait3A_456 : memref<100000x64xf32, #tpu.memory_space<hbm>>) dst(%arg6 : memref<128x64xf32, #tpu.memory_space<vmem>>)
    %dma_wait3A_457 = arith.constant 13 : i32
    %dma_wait3A_458 = arith.constant 0 : i32
    %dma_wait3A_459 = tpu.memref_slice %arg5[%dma_wait3A_457, %dma_wait3A_458] : memref<50x128xi32, #tpu.memory_space<vmem>> -> memref<1x128xi32, #tpu.memory_space<vmem>>
    %dma_wait3A_460 = tpu.memref_squeeze %dma_wait3A_459 : memref<1x128xi32, #tpu.memory_space<vmem>> -> memref<128xi32, #tpu.memory_space<vmem>>
    %dma_wait3A_461 = arith.constant 0 : i32
    %dma_wait3A_462 = arith.constant 0 : i32
    %dma_wait3A_463 = tpu.memref_slice %arg3[%dma_wait3A_461, %dma_wait3A_462] : memref<100000x64xf32, #tpu.memory_space<hbm>> -> memref<100000x64xf32, #tpu.memory_space<hbm>>
    tpu.wait_indirect_dma semaphore(%arg7 : memref<!tpu.dma_semaphore, #tpu.memory_space<semaphore_mem>>) src(%dma_wait3A_463 : memref<100000x64xf32, #tpu.memory_space<hbm>>) dst(%arg6 : memref<128x64xf32, #tpu.memory_space<vmem>>)
    %dma_wait3A_464 = arith.constant 14 : i32
    %dma_wait3A_465 = arith.constant 0 : i32
    %dma_wait3A_466 = tpu.memref_slice %arg5[%dma_wait3A_464, %dma_wait3A_465] : memref<50x128xi32, #tpu.memory_space<vmem>> -> memref<1x128xi32, #tpu.memory_space<vmem>>
    %dma_wait3A_467 = tpu.memref_squeeze %dma_wait3A_466 : memref<1x128xi32, #tpu.memory_space<vmem>> -> memref<128xi32, #tpu.memory_space<vmem>>
    %dma_wait3A_468 = arith.constant 0 : i32
    %dma_wait3A_469 = arith.constant 0 : i32
    %dma_wait3A_470 = tpu.memref_slice %arg3[%dma_wait3A_468, %dma_wait3A_469] : memref<100000x64xf32, #tpu.memory_space<hbm>> -> memref<100000x64xf32, #tpu.memory_space<hbm>>
    tpu.wait_indirect_dma semaphore(%arg7 : memref<!tpu.dma_semaphore, #tpu.memory_space<semaphore_mem>>) src(%dma_wait3A_470 : memref<100000x64xf32, #tpu.memory_space<hbm>>) dst(%arg6 : memref<128x64xf32, #tpu.memory_space<vmem>>)
    %dma_wait3A_471 = arith.constant 15 : i32
    %dma_wait3A_472 = arith.constant 0 : i32
    %dma_wait3A_473 = tpu.memref_slice %arg5[%dma_wait3A_471, %dma_wait3A_472] : memref<50x128xi32, #tpu.memory_space<vmem>> -> memref<1x128xi32, #tpu.memory_space<vmem>>
    %dma_wait3A_474 = tpu.memref_squeeze %dma_wait3A_473 : memref<1x128xi32, #tpu.memory_space<vmem>> -> memref<128xi32, #tpu.memory_space<vmem>>
    %dma_wait3A_475 = arith.constant 0 : i32
    %dma_wait3A_476 = arith.constant 0 : i32
    %dma_wait3A_477 = tpu.memref_slice %arg3[%dma_wait3A_475, %dma_wait3A_476] : memref<100000x64xf32, #tpu.memory_space<hbm>> -> memref<100000x64xf32, #tpu.memory_space<hbm>>
    tpu.wait_indirect_dma semaphore(%arg7 : memref<!tpu.dma_semaphore, #tpu.memory_space<semaphore_mem>>) src(%dma_wait3A_477 : memref<100000x64xf32, #tpu.memory_space<hbm>>) dst(%arg6 : memref<128x64xf32, #tpu.memory_space<vmem>>)
    %dma_wait3A_478 = arith.constant 16 : i32
    %dma_wait3A_479 = arith.constant 0 : i32
    %dma_wait3A_480 = tpu.memref_slice %arg5[%dma_wait3A_478, %dma_wait3A_479] : memref<50x128xi32, #tpu.memory_space<vmem>> -> memref<1x128xi32, #tpu.memory_space<vmem>>
    %dma_wait3A_481 = tpu.memref_squeeze %dma_wait3A_480 : memref<1x128xi32, #tpu.memory_space<vmem>> -> memref<128xi32, #tpu.memory_space<vmem>>
    %dma_wait3A_482 = arith.constant 0 : i32
    %dma_wait3A_483 = arith.constant 0 : i32
    %dma_wait3A_484 = tpu.memref_slice %arg3[%dma_wait3A_482, %dma_wait3A_483] : memref<100000x64xf32, #tpu.memory_space<hbm>> -> memref<100000x64xf32, #tpu.memory_space<hbm>>
    tpu.wait_indirect_dma semaphore(%arg7 : memref<!tpu.dma_semaphore, #tpu.memory_space<semaphore_mem>>) src(%dma_wait3A_484 : memref<100000x64xf32, #tpu.memory_space<hbm>>) dst(%arg6 : memref<128x64xf32, #tpu.memory_space<vmem>>)
    %dma_wait3A_485 = arith.constant 17 : i32
    %dma_wait3A_486 = arith.constant 0 : i32
    %dma_wait3A_487 = tpu.memref_slice %arg5[%dma_wait3A_485, %dma_wait3A_486] : memref<50x128xi32, #tpu.memory_space<vmem>> -> memref<1x128xi32, #tpu.memory_space<vmem>>
    %dma_wait3A_488 = tpu.memref_squeeze %dma_wait3A_487 : memref<1x128xi32, #tpu.memory_space<vmem>> -> memref<128xi32, #tpu.memory_space<vmem>>
    %dma_wait3A_489 = arith.constant 0 : i32
    %dma_wait3A_490 = arith.constant 0 : i32
    %dma_wait3A_491 = tpu.memref_slice %arg3[%dma_wait3A_489, %dma_wait3A_490] : memref<100000x64xf32, #tpu.memory_space<hbm>> -> memref<100000x64xf32, #tpu.memory_space<hbm>>
    tpu.wait_indirect_dma semaphore(%arg7 : memref<!tpu.dma_semaphore, #tpu.memory_space<semaphore_mem>>) src(%dma_wait3A_491 : memref<100000x64xf32, #tpu.memory_space<hbm>>) dst(%arg6 : memref<128x64xf32, #tpu.memory_space<vmem>>)
    %dma_wait3A_492 = arith.constant 18 : i32
    %dma_wait3A_493 = arith.constant 0 : i32
    %dma_wait3A_494 = tpu.memref_slice %arg5[%dma_wait3A_492, %dma_wait3A_493] : memref<50x128xi32, #tpu.memory_space<vmem>> -> memref<1x128xi32, #tpu.memory_space<vmem>>
    %dma_wait3A_495 = tpu.memref_squeeze %dma_wait3A_494 : memref<1x128xi32, #tpu.memory_space<vmem>> -> memref<128xi32, #tpu.memory_space<vmem>>
    %dma_wait3A_496 = arith.constant 0 : i32
    %dma_wait3A_497 = arith.constant 0 : i32
    %dma_wait3A_498 = tpu.memref_slice %arg3[%dma_wait3A_496, %dma_wait3A_497] : memref<100000x64xf32, #tpu.memory_space<hbm>> -> memref<100000x64xf32, #tpu.memory_space<hbm>>
    tpu.wait_indirect_dma semaphore(%arg7 : memref<!tpu.dma_semaphore, #tpu.memory_space<semaphore_mem>>) src(%dma_wait3A_498 : memref<100000x64xf32, #tpu.memory_space<hbm>>) dst(%arg6 : memref<128x64xf32, #tpu.memory_space<vmem>>)
    %dma_wait3A_499 = arith.constant 19 : i32
    %dma_wait3A_500 = arith.constant 0 : i32
    %dma_wait3A_501 = tpu.memref_slice %arg5[%dma_wait3A_499, %dma_wait3A_500] : memref<50x128xi32, #tpu.memory_space<vmem>> -> memref<1x128xi32, #tpu.memory_space<vmem>>
    %dma_wait3A_502 = tpu.memref_squeeze %dma_wait3A_501 : memref<1x128xi32, #tpu.memory_space<vmem>> -> memref<128xi32, #tpu.memory_space<vmem>>
    %dma_wait3A_503 = arith.constant 0 : i32
    %dma_wait3A_504 = arith.constant 0 : i32
    %dma_wait3A_505 = tpu.memref_slice %arg3[%dma_wait3A_503, %dma_wait3A_504] : memref<100000x64xf32, #tpu.memory_space<hbm>> -> memref<100000x64xf32, #tpu.memory_space<hbm>>
    tpu.wait_indirect_dma semaphore(%arg7 : memref<!tpu.dma_semaphore, #tpu.memory_space<semaphore_mem>>) src(%dma_wait3A_505 : memref<100000x64xf32, #tpu.memory_space<hbm>>) dst(%arg6 : memref<128x64xf32, #tpu.memory_space<vmem>>)
    %dma_wait3A_506 = arith.constant 20 : i32
    %dma_wait3A_507 = arith.constant 0 : i32
    %dma_wait3A_508 = tpu.memref_slice %arg5[%dma_wait3A_506, %dma_wait3A_507] : memref<50x128xi32, #tpu.memory_space<vmem>> -> memref<1x128xi32, #tpu.memory_space<vmem>>
    %dma_wait3A_509 = tpu.memref_squeeze %dma_wait3A_508 : memref<1x128xi32, #tpu.memory_space<vmem>> -> memref<128xi32, #tpu.memory_space<vmem>>
    %dma_wait3A_510 = arith.constant 0 : i32
    %dma_wait3A_511 = arith.constant 0 : i32
    %dma_wait3A_512 = tpu.memref_slice %arg3[%dma_wait3A_510, %dma_wait3A_511] : memref<100000x64xf32, #tpu.memory_space<hbm>> -> memref<100000x64xf32, #tpu.memory_space<hbm>>
    tpu.wait_indirect_dma semaphore(%arg7 : memref<!tpu.dma_semaphore, #tpu.memory_space<semaphore_mem>>) src(%dma_wait3A_512 : memref<100000x64xf32, #tpu.memory_space<hbm>>) dst(%arg6 : memref<128x64xf32, #tpu.memory_space<vmem>>)
    %dma_wait3A_513 = arith.constant 21 : i32
    %dma_wait3A_514 = arith.constant 0 : i32
    %dma_wait3A_515 = tpu.memref_slice %arg5[%dma_wait3A_513, %dma_wait3A_514] : memref<50x128xi32, #tpu.memory_space<vmem>> -> memref<1x128xi32, #tpu.memory_space<vmem>>
    %dma_wait3A_516 = tpu.memref_squeeze %dma_wait3A_515 : memref<1x128xi32, #tpu.memory_space<vmem>> -> memref<128xi32, #tpu.memory_space<vmem>>
    %dma_wait3A_517 = arith.constant 0 : i32
    %dma_wait3A_518 = arith.constant 0 : i32
    %dma_wait3A_519 = tpu.memref_slice %arg3[%dma_wait3A_517, %dma_wait3A_518] : memref<100000x64xf32, #tpu.memory_space<hbm>> -> memref<100000x64xf32, #tpu.memory_space<hbm>>
    tpu.wait_indirect_dma semaphore(%arg7 : memref<!tpu.dma_semaphore, #tpu.memory_space<semaphore_mem>>) src(%dma_wait3A_519 : memref<100000x64xf32, #tpu.memory_space<hbm>>) dst(%arg6 : memref<128x64xf32, #tpu.memory_space<vmem>>)
    %dma_wait3A_520 = arith.constant 22 : i32
    %dma_wait3A_521 = arith.constant 0 : i32
    %dma_wait3A_522 = tpu.memref_slice %arg5[%dma_wait3A_520, %dma_wait3A_521] : memref<50x128xi32, #tpu.memory_space<vmem>> -> memref<1x128xi32, #tpu.memory_space<vmem>>
    %dma_wait3A_523 = tpu.memref_squeeze %dma_wait3A_522 : memref<1x128xi32, #tpu.memory_space<vmem>> -> memref<128xi32, #tpu.memory_space<vmem>>
    %dma_wait3A_524 = arith.constant 0 : i32
    %dma_wait3A_525 = arith.constant 0 : i32
    %dma_wait3A_526 = tpu.memref_slice %arg3[%dma_wait3A_524, %dma_wait3A_525] : memref<100000x64xf32, #tpu.memory_space<hbm>> -> memref<100000x64xf32, #tpu.memory_space<hbm>>
    tpu.wait_indirect_dma semaphore(%arg7 : memref<!tpu.dma_semaphore, #tpu.memory_space<semaphore_mem>>) src(%dma_wait3A_526 : memref<100000x64xf32, #tpu.memory_space<hbm>>) dst(%arg6 : memref<128x64xf32, #tpu.memory_space<vmem>>)
    %dma_wait3A_527 = arith.constant 23 : i32
    %dma_wait3A_528 = arith.constant 0 : i32
    %dma_wait3A_529 = tpu.memref_slice %arg5[%dma_wait3A_527, %dma_wait3A_528] : memref<50x128xi32, #tpu.memory_space<vmem>> -> memref<1x128xi32, #tpu.memory_space<vmem>>
    %dma_wait3A_530 = tpu.memref_squeeze %dma_wait3A_529 : memref<1x128xi32, #tpu.memory_space<vmem>> -> memref<128xi32, #tpu.memory_space<vmem>>
    %dma_wait3A_531 = arith.constant 0 : i32
    %dma_wait3A_532 = arith.constant 0 : i32
    %dma_wait3A_533 = tpu.memref_slice %arg3[%dma_wait3A_531, %dma_wait3A_532] : memref<100000x64xf32, #tpu.memory_space<hbm>> -> memref<100000x64xf32, #tpu.memory_space<hbm>>
    tpu.wait_indirect_dma semaphore(%arg7 : memref<!tpu.dma_semaphore, #tpu.memory_space<semaphore_mem>>) src(%dma_wait3A_533 : memref<100000x64xf32, #tpu.memory_space<hbm>>) dst(%arg6 : memref<128x64xf32, #tpu.memory_space<vmem>>)
    %dma_wait3A_534 = arith.constant 24 : i32
    %dma_wait3A_535 = arith.constant 0 : i32
    %dma_wait3A_536 = tpu.memref_slice %arg5[%dma_wait3A_534, %dma_wait3A_535] : memref<50x128xi32, #tpu.memory_space<vmem>> -> memref<1x128xi32, #tpu.memory_space<vmem>>
    %dma_wait3A_537 = tpu.memref_squeeze %dma_wait3A_536 : memref<1x128xi32, #tpu.memory_space<vmem>> -> memref<128xi32, #tpu.memory_space<vmem>>
    %dma_wait3A_538 = arith.constant 0 : i32
    %dma_wait3A_539 = arith.constant 0 : i32
    %dma_wait3A_540 = tpu.memref_slice %arg3[%dma_wait3A_538, %dma_wait3A_539] : memref<100000x64xf32, #tpu.memory_space<hbm>> -> memref<100000x64xf32, #tpu.memory_space<hbm>>
    tpu.wait_indirect_dma semaphore(%arg7 : memref<!tpu.dma_semaphore, #tpu.memory_space<semaphore_mem>>) src(%dma_wait3A_540 : memref<100000x64xf32, #tpu.memory_space<hbm>>) dst(%arg6 : memref<128x64xf32, #tpu.memory_space<vmem>>)
    %dma_wait3A_541 = arith.constant 25 : i32
    %dma_wait3A_542 = arith.constant 0 : i32
    %dma_wait3A_543 = tpu.memref_slice %arg5[%dma_wait3A_541, %dma_wait3A_542] : memref<50x128xi32, #tpu.memory_space<vmem>> -> memref<1x128xi32, #tpu.memory_space<vmem>>
    %dma_wait3A_544 = tpu.memref_squeeze %dma_wait3A_543 : memref<1x128xi32, #tpu.memory_space<vmem>> -> memref<128xi32, #tpu.memory_space<vmem>>
    %dma_wait3A_545 = arith.constant 0 : i32
    %dma_wait3A_546 = arith.constant 0 : i32
    %dma_wait3A_547 = tpu.memref_slice %arg3[%dma_wait3A_545, %dma_wait3A_546] : memref<100000x64xf32, #tpu.memory_space<hbm>> -> memref<100000x64xf32, #tpu.memory_space<hbm>>
    tpu.wait_indirect_dma semaphore(%arg7 : memref<!tpu.dma_semaphore, #tpu.memory_space<semaphore_mem>>) src(%dma_wait3A_547 : memref<100000x64xf32, #tpu.memory_space<hbm>>) dst(%arg6 : memref<128x64xf32, #tpu.memory_space<vmem>>)
    %dma_wait3A_548 = arith.constant 26 : i32
    %dma_wait3A_549 = arith.constant 0 : i32
    %dma_wait3A_550 = tpu.memref_slice %arg5[%dma_wait3A_548, %dma_wait3A_549] : memref<50x128xi32, #tpu.memory_space<vmem>> -> memref<1x128xi32, #tpu.memory_space<vmem>>
    %dma_wait3A_551 = tpu.memref_squeeze %dma_wait3A_550 : memref<1x128xi32, #tpu.memory_space<vmem>> -> memref<128xi32, #tpu.memory_space<vmem>>
    %dma_wait3A_552 = arith.constant 0 : i32
    %dma_wait3A_553 = arith.constant 0 : i32
    %dma_wait3A_554 = tpu.memref_slice %arg3[%dma_wait3A_552, %dma_wait3A_553] : memref<100000x64xf32, #tpu.memory_space<hbm>> -> memref<100000x64xf32, #tpu.memory_space<hbm>>
    tpu.wait_indirect_dma semaphore(%arg7 : memref<!tpu.dma_semaphore, #tpu.memory_space<semaphore_mem>>) src(%dma_wait3A_554 : memref<100000x64xf32, #tpu.memory_space<hbm>>) dst(%arg6 : memref<128x64xf32, #tpu.memory_space<vmem>>)
    %dma_wait3A_555 = arith.constant 27 : i32
    %dma_wait3A_556 = arith.constant 0 : i32
    %dma_wait3A_557 = tpu.memref_slice %arg5[%dma_wait3A_555, %dma_wait3A_556] : memref<50x128xi32, #tpu.memory_space<vmem>> -> memref<1x128xi32, #tpu.memory_space<vmem>>
    %dma_wait3A_558 = tpu.memref_squeeze %dma_wait3A_557 : memref<1x128xi32, #tpu.memory_space<vmem>> -> memref<128xi32, #tpu.memory_space<vmem>>
    %dma_wait3A_559 = arith.constant 0 : i32
    %dma_wait3A_560 = arith.constant 0 : i32
    %dma_wait3A_561 = tpu.memref_slice %arg3[%dma_wait3A_559, %dma_wait3A_560] : memref<100000x64xf32, #tpu.memory_space<hbm>> -> memref<100000x64xf32, #tpu.memory_space<hbm>>
    tpu.wait_indirect_dma semaphore(%arg7 : memref<!tpu.dma_semaphore, #tpu.memory_space<semaphore_mem>>) src(%dma_wait3A_561 : memref<100000x64xf32, #tpu.memory_space<hbm>>) dst(%arg6 : memref<128x64xf32, #tpu.memory_space<vmem>>)
    %dma_wait3A_562 = arith.constant 28 : i32
    %dma_wait3A_563 = arith.constant 0 : i32
    %dma_wait3A_564 = tpu.memref_slice %arg5[%dma_wait3A_562, %dma_wait3A_563] : memref<50x128xi32, #tpu.memory_space<vmem>> -> memref<1x128xi32, #tpu.memory_space<vmem>>
    %dma_wait3A_565 = tpu.memref_squeeze %dma_wait3A_564 : memref<1x128xi32, #tpu.memory_space<vmem>> -> memref<128xi32, #tpu.memory_space<vmem>>
    %dma_wait3A_566 = arith.constant 0 : i32
    %dma_wait3A_567 = arith.constant 0 : i32
    %dma_wait3A_568 = tpu.memref_slice %arg3[%dma_wait3A_566, %dma_wait3A_567] : memref<100000x64xf32, #tpu.memory_space<hbm>> -> memref<100000x64xf32, #tpu.memory_space<hbm>>
    tpu.wait_indirect_dma semaphore(%arg7 : memref<!tpu.dma_semaphore, #tpu.memory_space<semaphore_mem>>) src(%dma_wait3A_568 : memref<100000x64xf32, #tpu.memory_space<hbm>>) dst(%arg6 : memref<128x64xf32, #tpu.memory_space<vmem>>)
    %dma_wait3A_569 = arith.constant 29 : i32
    %dma_wait3A_570 = arith.constant 0 : i32
    %dma_wait3A_571 = tpu.memref_slice %arg5[%dma_wait3A_569, %dma_wait3A_570] : memref<50x128xi32, #tpu.memory_space<vmem>> -> memref<1x128xi32, #tpu.memory_space<vmem>>
    %dma_wait3A_572 = tpu.memref_squeeze %dma_wait3A_571 : memref<1x128xi32, #tpu.memory_space<vmem>> -> memref<128xi32, #tpu.memory_space<vmem>>
    %dma_wait3A_573 = arith.constant 0 : i32
    %dma_wait3A_574 = arith.constant 0 : i32
    %dma_wait3A_575 = tpu.memref_slice %arg3[%dma_wait3A_573, %dma_wait3A_574] : memref<100000x64xf32, #tpu.memory_space<hbm>> -> memref<100000x64xf32, #tpu.memory_space<hbm>>
    tpu.wait_indirect_dma semaphore(%arg7 : memref<!tpu.dma_semaphore, #tpu.memory_space<semaphore_mem>>) src(%dma_wait3A_575 : memref<100000x64xf32, #tpu.memory_space<hbm>>) dst(%arg6 : memref<128x64xf32, #tpu.memory_space<vmem>>)
    %dma_wait3A_576 = arith.constant 30 : i32
    %dma_wait3A_577 = arith.constant 0 : i32
    %dma_wait3A_578 = tpu.memref_slice %arg5[%dma_wait3A_576, %dma_wait3A_577] : memref<50x128xi32, #tpu.memory_space<vmem>> -> memref<1x128xi32, #tpu.memory_space<vmem>>
    %dma_wait3A_579 = tpu.memref_squeeze %dma_wait3A_578 : memref<1x128xi32, #tpu.memory_space<vmem>> -> memref<128xi32, #tpu.memory_space<vmem>>
    %dma_wait3A_580 = arith.constant 0 : i32
    %dma_wait3A_581 = arith.constant 0 : i32
    %dma_wait3A_582 = tpu.memref_slice %arg3[%dma_wait3A_580, %dma_wait3A_581] : memref<100000x64xf32, #tpu.memory_space<hbm>> -> memref<100000x64xf32, #tpu.memory_space<hbm>>
    tpu.wait_indirect_dma semaphore(%arg7 : memref<!tpu.dma_semaphore, #tpu.memory_space<semaphore_mem>>) src(%dma_wait3A_582 : memref<100000x64xf32, #tpu.memory_space<hbm>>) dst(%arg6 : memref<128x64xf32, #tpu.memory_space<vmem>>)
    %dma_wait3A_583 = arith.constant 31 : i32
    %dma_wait3A_584 = arith.constant 0 : i32
    %dma_wait3A_585 = tpu.memref_slice %arg5[%dma_wait3A_583, %dma_wait3A_584] : memref<50x128xi32, #tpu.memory_space<vmem>> -> memref<1x128xi32, #tpu.memory_space<vmem>>
    %dma_wait3A_586 = tpu.memref_squeeze %dma_wait3A_585 : memref<1x128xi32, #tpu.memory_space<vmem>> -> memref<128xi32, #tpu.memory_space<vmem>>
    %dma_wait3A_587 = arith.constant 0 : i32
    %dma_wait3A_588 = arith.constant 0 : i32
    %dma_wait3A_589 = tpu.memref_slice %arg3[%dma_wait3A_587, %dma_wait3A_588] : memref<100000x64xf32, #tpu.memory_space<hbm>> -> memref<100000x64xf32, #tpu.memory_space<hbm>>
    tpu.wait_indirect_dma semaphore(%arg7 : memref<!tpu.dma_semaphore, #tpu.memory_space<semaphore_mem>>) src(%dma_wait3A_589 : memref<100000x64xf32, #tpu.memory_space<hbm>>) dst(%arg6 : memref<128x64xf32, #tpu.memory_space<vmem>>)
    %dma_wait3A_590 = arith.constant 32 : i32
    %dma_wait3A_591 = arith.constant 0 : i32
    %dma_wait3A_592 = tpu.memref_slice %arg5[%dma_wait3A_590, %dma_wait3A_591] : memref<50x128xi32, #tpu.memory_space<vmem>> -> memref<1x128xi32, #tpu.memory_space<vmem>>
    %dma_wait3A_593 = tpu.memref_squeeze %dma_wait3A_592 : memref<1x128xi32, #tpu.memory_space<vmem>> -> memref<128xi32, #tpu.memory_space<vmem>>
    %dma_wait3A_594 = arith.constant 0 : i32
    %dma_wait3A_595 = arith.constant 0 : i32
    %dma_wait3A_596 = tpu.memref_slice %arg3[%dma_wait3A_594, %dma_wait3A_595] : memref<100000x64xf32, #tpu.memory_space<hbm>> -> memref<100000x64xf32, #tpu.memory_space<hbm>>
    tpu.wait_indirect_dma semaphore(%arg7 : memref<!tpu.dma_semaphore, #tpu.memory_space<semaphore_mem>>) src(%dma_wait3A_596 : memref<100000x64xf32, #tpu.memory_space<hbm>>) dst(%arg6 : memref<128x64xf32, #tpu.memory_space<vmem>>)
    %dma_wait3A_597 = arith.constant 33 : i32
    %dma_wait3A_598 = arith.constant 0 : i32
    %dma_wait3A_599 = tpu.memref_slice %arg5[%dma_wait3A_597, %dma_wait3A_598] : memref<50x128xi32, #tpu.memory_space<vmem>> -> memref<1x128xi32, #tpu.memory_space<vmem>>
    %dma_wait3A_600 = tpu.memref_squeeze %dma_wait3A_599 : memref<1x128xi32, #tpu.memory_space<vmem>> -> memref<128xi32, #tpu.memory_space<vmem>>
    %dma_wait3A_601 = arith.constant 0 : i32
    %dma_wait3A_602 = arith.constant 0 : i32
    %dma_wait3A_603 = tpu.memref_slice %arg3[%dma_wait3A_601, %dma_wait3A_602] : memref<100000x64xf32, #tpu.memory_space<hbm>> -> memref<100000x64xf32, #tpu.memory_space<hbm>>
    tpu.wait_indirect_dma semaphore(%arg7 : memref<!tpu.dma_semaphore, #tpu.memory_space<semaphore_mem>>) src(%dma_wait3A_603 : memref<100000x64xf32, #tpu.memory_space<hbm>>) dst(%arg6 : memref<128x64xf32, #tpu.memory_space<vmem>>)
    %dma_wait3A_604 = arith.constant 34 : i32
    %dma_wait3A_605 = arith.constant 0 : i32
    %dma_wait3A_606 = tpu.memref_slice %arg5[%dma_wait3A_604, %dma_wait3A_605] : memref<50x128xi32, #tpu.memory_space<vmem>> -> memref<1x128xi32, #tpu.memory_space<vmem>>
    %dma_wait3A_607 = tpu.memref_squeeze %dma_wait3A_606 : memref<1x128xi32, #tpu.memory_space<vmem>> -> memref<128xi32, #tpu.memory_space<vmem>>
    %dma_wait3A_608 = arith.constant 0 : i32
    %dma_wait3A_609 = arith.constant 0 : i32
    %dma_wait3A_610 = tpu.memref_slice %arg3[%dma_wait3A_608, %dma_wait3A_609] : memref<100000x64xf32, #tpu.memory_space<hbm>> -> memref<100000x64xf32, #tpu.memory_space<hbm>>
    tpu.wait_indirect_dma semaphore(%arg7 : memref<!tpu.dma_semaphore, #tpu.memory_space<semaphore_mem>>) src(%dma_wait3A_610 : memref<100000x64xf32, #tpu.memory_space<hbm>>) dst(%arg6 : memref<128x64xf32, #tpu.memory_space<vmem>>)
    %dma_wait3A_611 = arith.constant 35 : i32
    %dma_wait3A_612 = arith.constant 0 : i32
    %dma_wait3A_613 = tpu.memref_slice %arg5[%dma_wait3A_611, %dma_wait3A_612] : memref<50x128xi32, #tpu.memory_space<vmem>> -> memref<1x128xi32, #tpu.memory_space<vmem>>
    %dma_wait3A_614 = tpu.memref_squeeze %dma_wait3A_613 : memref<1x128xi32, #tpu.memory_space<vmem>> -> memref<128xi32, #tpu.memory_space<vmem>>
    %dma_wait3A_615 = arith.constant 0 : i32
    %dma_wait3A_616 = arith.constant 0 : i32
    %dma_wait3A_617 = tpu.memref_slice %arg3[%dma_wait3A_615, %dma_wait3A_616] : memref<100000x64xf32, #tpu.memory_space<hbm>> -> memref<100000x64xf32, #tpu.memory_space<hbm>>
    tpu.wait_indirect_dma semaphore(%arg7 : memref<!tpu.dma_semaphore, #tpu.memory_space<semaphore_mem>>) src(%dma_wait3A_617 : memref<100000x64xf32, #tpu.memory_space<hbm>>) dst(%arg6 : memref<128x64xf32, #tpu.memory_space<vmem>>)
    %dma_wait3A_618 = arith.constant 36 : i32
    %dma_wait3A_619 = arith.constant 0 : i32
    %dma_wait3A_620 = tpu.memref_slice %arg5[%dma_wait3A_618, %dma_wait3A_619] : memref<50x128xi32, #tpu.memory_space<vmem>> -> memref<1x128xi32, #tpu.memory_space<vmem>>
    %dma_wait3A_621 = tpu.memref_squeeze %dma_wait3A_620 : memref<1x128xi32, #tpu.memory_space<vmem>> -> memref<128xi32, #tpu.memory_space<vmem>>
    %dma_wait3A_622 = arith.constant 0 : i32
    %dma_wait3A_623 = arith.constant 0 : i32
    %dma_wait3A_624 = tpu.memref_slice %arg3[%dma_wait3A_622, %dma_wait3A_623] : memref<100000x64xf32, #tpu.memory_space<hbm>> -> memref<100000x64xf32, #tpu.memory_space<hbm>>
    tpu.wait_indirect_dma semaphore(%arg7 : memref<!tpu.dma_semaphore, #tpu.memory_space<semaphore_mem>>) src(%dma_wait3A_624 : memref<100000x64xf32, #tpu.memory_space<hbm>>) dst(%arg6 : memref<128x64xf32, #tpu.memory_space<vmem>>)
    %dma_wait3A_625 = arith.constant 37 : i32
    %dma_wait3A_626 = arith.constant 0 : i32
    %dma_wait3A_627 = tpu.memref_slice %arg5[%dma_wait3A_625, %dma_wait3A_626] : memref<50x128xi32, #tpu.memory_space<vmem>> -> memref<1x128xi32, #tpu.memory_space<vmem>>
    %dma_wait3A_628 = tpu.memref_squeeze %dma_wait3A_627 : memref<1x128xi32, #tpu.memory_space<vmem>> -> memref<128xi32, #tpu.memory_space<vmem>>
    %dma_wait3A_629 = arith.constant 0 : i32
    %dma_wait3A_630 = arith.constant 0 : i32
    %dma_wait3A_631 = tpu.memref_slice %arg3[%dma_wait3A_629, %dma_wait3A_630] : memref<100000x64xf32, #tpu.memory_space<hbm>> -> memref<100000x64xf32, #tpu.memory_space<hbm>>
    tpu.wait_indirect_dma semaphore(%arg7 : memref<!tpu.dma_semaphore, #tpu.memory_space<semaphore_mem>>) src(%dma_wait3A_631 : memref<100000x64xf32, #tpu.memory_space<hbm>>) dst(%arg6 : memref<128x64xf32, #tpu.memory_space<vmem>>)
    %dma_wait3A_632 = arith.constant 38 : i32
    %dma_wait3A_633 = arith.constant 0 : i32
    %dma_wait3A_634 = tpu.memref_slice %arg5[%dma_wait3A_632, %dma_wait3A_633] : memref<50x128xi32, #tpu.memory_space<vmem>> -> memref<1x128xi32, #tpu.memory_space<vmem>>
    %dma_wait3A_635 = tpu.memref_squeeze %dma_wait3A_634 : memref<1x128xi32, #tpu.memory_space<vmem>> -> memref<128xi32, #tpu.memory_space<vmem>>
    %dma_wait3A_636 = arith.constant 0 : i32
    %dma_wait3A_637 = arith.constant 0 : i32
    %dma_wait3A_638 = tpu.memref_slice %arg3[%dma_wait3A_636, %dma_wait3A_637] : memref<100000x64xf32, #tpu.memory_space<hbm>> -> memref<100000x64xf32, #tpu.memory_space<hbm>>
    tpu.wait_indirect_dma semaphore(%arg7 : memref<!tpu.dma_semaphore, #tpu.memory_space<semaphore_mem>>) src(%dma_wait3A_638 : memref<100000x64xf32, #tpu.memory_space<hbm>>) dst(%arg6 : memref<128x64xf32, #tpu.memory_space<vmem>>)
    %dma_wait3A_639 = arith.constant 39 : i32
    %dma_wait3A_640 = arith.constant 0 : i32
    %dma_wait3A_641 = tpu.memref_slice %arg5[%dma_wait3A_639, %dma_wait3A_640] : memref<50x128xi32, #tpu.memory_space<vmem>> -> memref<1x128xi32, #tpu.memory_space<vmem>>
    %dma_wait3A_642 = tpu.memref_squeeze %dma_wait3A_641 : memref<1x128xi32, #tpu.memory_space<vmem>> -> memref<128xi32, #tpu.memory_space<vmem>>
    %dma_wait3A_643 = arith.constant 0 : i32
    %dma_wait3A_644 = arith.constant 0 : i32
    %dma_wait3A_645 = tpu.memref_slice %arg3[%dma_wait3A_643, %dma_wait3A_644] : memref<100000x64xf32, #tpu.memory_space<hbm>> -> memref<100000x64xf32, #tpu.memory_space<hbm>>
    tpu.wait_indirect_dma semaphore(%arg7 : memref<!tpu.dma_semaphore, #tpu.memory_space<semaphore_mem>>) src(%dma_wait3A_645 : memref<100000x64xf32, #tpu.memory_space<hbm>>) dst(%arg6 : memref<128x64xf32, #tpu.memory_space<vmem>>)
    %dma_wait3A_646 = arith.constant 40 : i32
    %dma_wait3A_647 = arith.constant 0 : i32
    %dma_wait3A_648 = tpu.memref_slice %arg5[%dma_wait3A_646, %dma_wait3A_647] : memref<50x128xi32, #tpu.memory_space<vmem>> -> memref<1x128xi32, #tpu.memory_space<vmem>>
    %dma_wait3A_649 = tpu.memref_squeeze %dma_wait3A_648 : memref<1x128xi32, #tpu.memory_space<vmem>> -> memref<128xi32, #tpu.memory_space<vmem>>
    %dma_wait3A_650 = arith.constant 0 : i32
    %dma_wait3A_651 = arith.constant 0 : i32
    %dma_wait3A_652 = tpu.memref_slice %arg3[%dma_wait3A_650, %dma_wait3A_651] : memref<100000x64xf32, #tpu.memory_space<hbm>> -> memref<100000x64xf32, #tpu.memory_space<hbm>>
    tpu.wait_indirect_dma semaphore(%arg7 : memref<!tpu.dma_semaphore, #tpu.memory_space<semaphore_mem>>) src(%dma_wait3A_652 : memref<100000x64xf32, #tpu.memory_space<hbm>>) dst(%arg6 : memref<128x64xf32, #tpu.memory_space<vmem>>)
    %dma_wait3A_653 = arith.constant 41 : i32
    %dma_wait3A_654 = arith.constant 0 : i32
    %dma_wait3A_655 = tpu.memref_slice %arg5[%dma_wait3A_653, %dma_wait3A_654] : memref<50x128xi32, #tpu.memory_space<vmem>> -> memref<1x128xi32, #tpu.memory_space<vmem>>
    %dma_wait3A_656 = tpu.memref_squeeze %dma_wait3A_655 : memref<1x128xi32, #tpu.memory_space<vmem>> -> memref<128xi32, #tpu.memory_space<vmem>>
    %dma_wait3A_657 = arith.constant 0 : i32
    %dma_wait3A_658 = arith.constant 0 : i32
    %dma_wait3A_659 = tpu.memref_slice %arg3[%dma_wait3A_657, %dma_wait3A_658] : memref<100000x64xf32, #tpu.memory_space<hbm>> -> memref<100000x64xf32, #tpu.memory_space<hbm>>
    tpu.wait_indirect_dma semaphore(%arg7 : memref<!tpu.dma_semaphore, #tpu.memory_space<semaphore_mem>>) src(%dma_wait3A_659 : memref<100000x64xf32, #tpu.memory_space<hbm>>) dst(%arg6 : memref<128x64xf32, #tpu.memory_space<vmem>>)
    %dma_wait3A_660 = arith.constant 42 : i32
    %dma_wait3A_661 = arith.constant 0 : i32
    %dma_wait3A_662 = tpu.memref_slice %arg5[%dma_wait3A_660, %dma_wait3A_661] : memref<50x128xi32, #tpu.memory_space<vmem>> -> memref<1x128xi32, #tpu.memory_space<vmem>>
    %dma_wait3A_663 = tpu.memref_squeeze %dma_wait3A_662 : memref<1x128xi32, #tpu.memory_space<vmem>> -> memref<128xi32, #tpu.memory_space<vmem>>
    %dma_wait3A_664 = arith.constant 0 : i32
    %dma_wait3A_665 = arith.constant 0 : i32
    %dma_wait3A_666 = tpu.memref_slice %arg3[%dma_wait3A_664, %dma_wait3A_665] : memref<100000x64xf32, #tpu.memory_space<hbm>> -> memref<100000x64xf32, #tpu.memory_space<hbm>>
    tpu.wait_indirect_dma semaphore(%arg7 : memref<!tpu.dma_semaphore, #tpu.memory_space<semaphore_mem>>) src(%dma_wait3A_666 : memref<100000x64xf32, #tpu.memory_space<hbm>>) dst(%arg6 : memref<128x64xf32, #tpu.memory_space<vmem>>)
    %dma_wait3A_667 = arith.constant 43 : i32
    %dma_wait3A_668 = arith.constant 0 : i32
    %dma_wait3A_669 = tpu.memref_slice %arg5[%dma_wait3A_667, %dma_wait3A_668] : memref<50x128xi32, #tpu.memory_space<vmem>> -> memref<1x128xi32, #tpu.memory_space<vmem>>
    %dma_wait3A_670 = tpu.memref_squeeze %dma_wait3A_669 : memref<1x128xi32, #tpu.memory_space<vmem>> -> memref<128xi32, #tpu.memory_space<vmem>>
    %dma_wait3A_671 = arith.constant 0 : i32
    %dma_wait3A_672 = arith.constant 0 : i32
    %dma_wait3A_673 = tpu.memref_slice %arg3[%dma_wait3A_671, %dma_wait3A_672] : memref<100000x64xf32, #tpu.memory_space<hbm>> -> memref<100000x64xf32, #tpu.memory_space<hbm>>
    tpu.wait_indirect_dma semaphore(%arg7 : memref<!tpu.dma_semaphore, #tpu.memory_space<semaphore_mem>>) src(%dma_wait3A_673 : memref<100000x64xf32, #tpu.memory_space<hbm>>) dst(%arg6 : memref<128x64xf32, #tpu.memory_space<vmem>>)
    %dma_wait3A_674 = arith.constant 44 : i32
    %dma_wait3A_675 = arith.constant 0 : i32
    %dma_wait3A_676 = tpu.memref_slice %arg5[%dma_wait3A_674, %dma_wait3A_675] : memref<50x128xi32, #tpu.memory_space<vmem>> -> memref<1x128xi32, #tpu.memory_space<vmem>>
    %dma_wait3A_677 = tpu.memref_squeeze %dma_wait3A_676 : memref<1x128xi32, #tpu.memory_space<vmem>> -> memref<128xi32, #tpu.memory_space<vmem>>
    %dma_wait3A_678 = arith.constant 0 : i32
    %dma_wait3A_679 = arith.constant 0 : i32
    %dma_wait3A_680 = tpu.memref_slice %arg3[%dma_wait3A_678, %dma_wait3A_679] : memref<100000x64xf32, #tpu.memory_space<hbm>> -> memref<100000x64xf32, #tpu.memory_space<hbm>>
    tpu.wait_indirect_dma semaphore(%arg7 : memref<!tpu.dma_semaphore, #tpu.memory_space<semaphore_mem>>) src(%dma_wait3A_680 : memref<100000x64xf32, #tpu.memory_space<hbm>>) dst(%arg6 : memref<128x64xf32, #tpu.memory_space<vmem>>)
    %dma_wait3A_681 = arith.constant 45 : i32
    %dma_wait3A_682 = arith.constant 0 : i32
    %dma_wait3A_683 = tpu.memref_slice %arg5[%dma_wait3A_681, %dma_wait3A_682] : memref<50x128xi32, #tpu.memory_space<vmem>> -> memref<1x128xi32, #tpu.memory_space<vmem>>
    %dma_wait3A_684 = tpu.memref_squeeze %dma_wait3A_683 : memref<1x128xi32, #tpu.memory_space<vmem>> -> memref<128xi32, #tpu.memory_space<vmem>>
    %dma_wait3A_685 = arith.constant 0 : i32
    %dma_wait3A_686 = arith.constant 0 : i32
    %dma_wait3A_687 = tpu.memref_slice %arg3[%dma_wait3A_685, %dma_wait3A_686] : memref<100000x64xf32, #tpu.memory_space<hbm>> -> memref<100000x64xf32, #tpu.memory_space<hbm>>
    tpu.wait_indirect_dma semaphore(%arg7 : memref<!tpu.dma_semaphore, #tpu.memory_space<semaphore_mem>>) src(%dma_wait3A_687 : memref<100000x64xf32, #tpu.memory_space<hbm>>) dst(%arg6 : memref<128x64xf32, #tpu.memory_space<vmem>>)
    %dma_wait3A_688 = arith.constant 46 : i32
    %dma_wait3A_689 = arith.constant 0 : i32
    %dma_wait3A_690 = tpu.memref_slice %arg5[%dma_wait3A_688, %dma_wait3A_689] : memref<50x128xi32, #tpu.memory_space<vmem>> -> memref<1x128xi32, #tpu.memory_space<vmem>>
    %dma_wait3A_691 = tpu.memref_squeeze %dma_wait3A_690 : memref<1x128xi32, #tpu.memory_space<vmem>> -> memref<128xi32, #tpu.memory_space<vmem>>
    %dma_wait3A_692 = arith.constant 0 : i32
    %dma_wait3A_693 = arith.constant 0 : i32
    %dma_wait3A_694 = tpu.memref_slice %arg3[%dma_wait3A_692, %dma_wait3A_693] : memref<100000x64xf32, #tpu.memory_space<hbm>> -> memref<100000x64xf32, #tpu.memory_space<hbm>>
    tpu.wait_indirect_dma semaphore(%arg7 : memref<!tpu.dma_semaphore, #tpu.memory_space<semaphore_mem>>) src(%dma_wait3A_694 : memref<100000x64xf32, #tpu.memory_space<hbm>>) dst(%arg6 : memref<128x64xf32, #tpu.memory_space<vmem>>)
    %dma_wait3A_695 = arith.constant 47 : i32
    %dma_wait3A_696 = arith.constant 0 : i32
    %dma_wait3A_697 = tpu.memref_slice %arg5[%dma_wait3A_695, %dma_wait3A_696] : memref<50x128xi32, #tpu.memory_space<vmem>> -> memref<1x128xi32, #tpu.memory_space<vmem>>
    %dma_wait3A_698 = tpu.memref_squeeze %dma_wait3A_697 : memref<1x128xi32, #tpu.memory_space<vmem>> -> memref<128xi32, #tpu.memory_space<vmem>>
    %dma_wait3A_699 = arith.constant 0 : i32
    %dma_wait3A_700 = arith.constant 0 : i32
    %dma_wait3A_701 = tpu.memref_slice %arg3[%dma_wait3A_699, %dma_wait3A_700] : memref<100000x64xf32, #tpu.memory_space<hbm>> -> memref<100000x64xf32, #tpu.memory_space<hbm>>
    tpu.wait_indirect_dma semaphore(%arg7 : memref<!tpu.dma_semaphore, #tpu.memory_space<semaphore_mem>>) src(%dma_wait3A_701 : memref<100000x64xf32, #tpu.memory_space<hbm>>) dst(%arg6 : memref<128x64xf32, #tpu.memory_space<vmem>>)
    %dma_wait3A_702 = arith.constant 48 : i32
    %dma_wait3A_703 = arith.constant 0 : i32
    %dma_wait3A_704 = tpu.memref_slice %arg5[%dma_wait3A_702, %dma_wait3A_703] : memref<50x128xi32, #tpu.memory_space<vmem>> -> memref<1x128xi32, #tpu.memory_space<vmem>>
    %dma_wait3A_705 = tpu.memref_squeeze %dma_wait3A_704 : memref<1x128xi32, #tpu.memory_space<vmem>> -> memref<128xi32, #tpu.memory_space<vmem>>
    %dma_wait3A_706 = arith.constant 0 : i32
    %dma_wait3A_707 = arith.constant 0 : i32
    %dma_wait3A_708 = tpu.memref_slice %arg3[%dma_wait3A_706, %dma_wait3A_707] : memref<100000x64xf32, #tpu.memory_space<hbm>> -> memref<100000x64xf32, #tpu.memory_space<hbm>>
    tpu.wait_indirect_dma semaphore(%arg7 : memref<!tpu.dma_semaphore, #tpu.memory_space<semaphore_mem>>) src(%dma_wait3A_708 : memref<100000x64xf32, #tpu.memory_space<hbm>>) dst(%arg6 : memref<128x64xf32, #tpu.memory_space<vmem>>)
    %dma_wait3A_709 = arith.constant 49 : i32
    %dma_wait3A_710 = arith.constant 0 : i32
    %dma_wait3A_711 = tpu.memref_slice %arg5[%dma_wait3A_709, %dma_wait3A_710] : memref<50x128xi32, #tpu.memory_space<vmem>> -> memref<1x128xi32, #tpu.memory_space<vmem>>
    %dma_wait3A_712 = tpu.memref_squeeze %dma_wait3A_711 : memref<1x128xi32, #tpu.memory_space<vmem>> -> memref<128xi32, #tpu.memory_space<vmem>>
    %dma_wait3A_713 = arith.constant 0 : i32
    %dma_wait3A_714 = arith.constant 0 : i32
    %dma_wait3A_715 = tpu.memref_slice %arg3[%dma_wait3A_713, %dma_wait3A_714] : memref<100000x64xf32, #tpu.memory_space<hbm>> -> memref<100000x64xf32, #tpu.memory_space<hbm>>
    tpu.wait_indirect_dma semaphore(%arg7 : memref<!tpu.dma_semaphore, #tpu.memory_space<semaphore_mem>>) src(%dma_wait3A_715 : memref<100000x64xf32, #tpu.memory_space<hbm>>) dst(%arg6 : memref<128x64xf32, #tpu.memory_space<vmem>>)
    "tpu.region"() ({
      %run_scoped3A = tpu.sem_alloc : memref<!tpu.dma_semaphore, #tpu.memory_space<semaphore_mem>>
      %dma_start3A_716 = arith.constant 0 : i32
      %dma_start3A_717 = tpu.memref_slice %arg4[%mul3A_2, %dma_start3A_716] : memref<4096x64xf32, #tpu.memory_space<hbm>> -> memref<128x64xf32, #tpu.memory_space<hbm>>
      %dma_start3A_718 = arith.constant 0 : i32
      %dma_start3A_719 = tpu.memref_slice %arg4[%mul3A_2, %dma_start3A_718] : memref<4096x64xf32, #tpu.memory_space<hbm>> -> memref<128x64xf32, #tpu.memory_space<hbm>>
      tpu.enqueue_dma source(%arg6 : memref<128x64xf32, #tpu.memory_space<vmem>>) target(%dma_start3A_719 : memref<128x64xf32, #tpu.memory_space<hbm>>) target_semaphore(%run_scoped3A : memref<!tpu.dma_semaphore, #tpu.memory_space<semaphore_mem>>)
      %dma_wait3A_720 = arith.constant 0 : i32
      %dma_wait3A_721 = tpu.memref_slice %arg4[%mul3A_2, %dma_wait3A_720] : memref<4096x64xf32, #tpu.memory_space<hbm>> -> memref<128x64xf32, #tpu.memory_space<hbm>>
      %dma_wait3A_722 = arith.constant 0 : i32
      %dma_wait3A_723 = tpu.memref_slice %arg4[%mul3A_2, %dma_wait3A_722] : memref<4096x64xf32, #tpu.memory_space<hbm>> -> memref<128x64xf32, #tpu.memory_space<hbm>>
      tpu.wait_dma2 semaphore(%run_scoped3A : memref<!tpu.dma_semaphore, #tpu.memory_space<semaphore_mem>>) src(%arg6 : memref<128x64xf32, #tpu.memory_space<vmem>>) dst(%dma_wait3A_723 : memref<128x64xf32, #tpu.memory_space<hbm>>)
      tpu.yield
    }) : () -> ()
    return
  }
}

</mosaic_0001>

<sc_bundles>
// kernel: kernel.3.cloned.1.call-start
scs
__scs_entry_jumppad:
0x0: {  	(pc) =	sbr.rel $0x88, $3  }
0x1: {  	(tag) =	ssettag $0x0;
	lr =	simm.s32 $0x1  }
0x2: {  	[smem:$0x3F9F] =	sst lr;
	_ =	strace $0xD0000000  }
0x3: {  	_ = 	snop  }
0x4: {  	_ = 	snop  }
0x5: {  	_ = 	snop  }
0x6: {  	_ = 	snop  }
0x7: {  	_ = 	snop  }
__scs_overlays_trampoline_lowered:
0x8: {  	[smem:$0x3FAE] =	sst s0  }
0x9: {  	[smem:$0x3FAF] =	sst s1  }
0xa: {  	[smem:$0x3FB0] =	sst s2  }
0xb: {  	[smem:$0x3FB1] =	sst s3  }
0xc: {  	[smem:$0x3FB2] =	sst s4  }
0xd: {  	[smem:$0x3FB3] =	sst s5  }
0xe: {  	[smem:$0x3FB4] =	sst s6  }
0xf: {  	[smem:$0x3FB5] =	sst s7  }
0x10: {  	[smem:$0x3FB6] =	sst s8  }
0x11: {  	[smem:$0x3FB7] =	sst s9;
	s0 =	simm.s32 @!p0 $0x0  }
0x12: {  	s1 =	sld [smem:$0x3F9D];
	s0 =	simm.s32 @p0 $0x1  }
0x13: {  	[smem:$0x3FB8] =	sst s0;
	s0 =	simm.s32 @!p1 $0x0  }
0x14: {  	s2 =	sld [smem:$0x3F9C];
	s0 =	simm.s32 @p1 $0x1  }
0x15: {  	[smem:$0x3FB9] =	sst s0;
	s0 =	simm.s32 @!p2 $0x0  }
0x16: {  	s3 =	sld [smem:$0x3FDB];
	s0 =	simm.s32 @p2 $0x1  }
0x17: {  	s4 =	simm.s32 $0x1BF5;
	[smem:$0x3FBB] =	sst s0  }
0x18: {  	s0 =	sld [smem:$0x3F9E];
	_ =	swait.ge [sflag:s4], $0x0  }
0x19: {  	s7 =	sld [smem:$0x3F9F]  }
0x1a: {  	s8 =	sadd.s32 $0xFFFFE003, lr  }
0x1b: {  	s9 =	sadd.s32 $0xFFFFFEF7, lr;
	s5 =	simm.s32 $0xFFFFFFFF;
	p2 =	slt.u32 s8, $0xFFFFF086  }
0x1c: {  	p1 =	slt.u32 s9, $0xF7A;
	s5 =	simm.s32 @!p2 $0x0  }
0x1d: {  	s5 =	simm.s32 @p1 $0x1;
	p0 =	seq.s32 s7, s2  }
0x1e: {  	s7 =	smul.u32 @!p0 $0xF7A, s2;
	p2 =	seq.s32 @!p0 s5, $0x0  }
0x1f: {  	s9 =	smul.u32 $0xF7A, s1;
	s8 =	simm.s32 @!p0 $0x1BF5;
	p2 =	por !p2, p0  }
0x20: {  	[sflag:s8] =	ssyncset.s32 @!p0 $0xFFFFF086;
	s6 =	sadd.s32 @!p0 s3, s7;
	s7 =	simm.s32 @!p0 $0x108  }
0x21: {  	s3 =	sadd.s32 s3, s9;
	s6 =	sadd.s32 @!p0 $0x88, s6;
	s7 =	simm.s32 @p2 $0x1082  }
0x22: {  	[simem:s7], [sflag:s8] =	dma.local @!p0 [hbm:s6], $0xF7A  }
0x23: {  	s9 =	sor.u32 $0xD0000000, s2;
	s6 =	simm.s32 $0x108;
	_ =	swait.ge @!p0 [sflag:s8], $0x0  }
0x24: {  	s3 =	sadd.s32 $0x88, s3;
	s6 =	simm.s32 @!p1 $0x1082;
	[sflag:s4] =	ssyncset.s32 $0xFFFFF086  }
0x25: {  	[simem:s6], [sflag:s4] =	dma.local [hbm:s3], $0xF7A  }
0x26: {  	[smem:$0x3F9F] =	sst s1;
	(tag) =	ssettag s2;
	_ =	strace s9  }
0x27: {  	s1 =	sld [smem:$0x3FAF]  }
0x28: {  	s2 =	sld [smem:$0x3FB0]  }
0x29: {  	s4 =	sld [smem:$0x3FB2]  }
0x2a: {  	p0 =	seq.s32 s5, $0x0;
	s5 =	sld [smem:$0x3FB3]  }
0x2b: {  	s6 =	sld [smem:$0x3FB4]  }
0x2c: {  	s7 =	sld [smem:$0x3FB5]  }
0x2d: {  	s3 =	simm.s32 $0x108;
	s8 =	sld [smem:$0x3FB6]  }
0x2e: {  	s3 =	simm.s32 @!p0 $0x1082;
	s9 =	sld [smem:$0x3FB7]  }
0x2f: {  	lr =	sadd.s32 s0, s3;
	s0 =	sld [smem:$0x3FAE]  }
0x30: {  	s3 =	sld [smem:$0x3FB1]  }
0x31: {  	[smem:$0x3FBA] =	sst s10  }
0x32: {  	s10 =	sld [smem:$0x3FB8];
	_ =	sdelay $0x3  }
0x33: {  	p0 =	seq.s32 s10, $0x1;
	s10 =	sld [smem:$0x3FBA];
	_ =	sdelay $0x3  }
0x34: {  	[smem:$0x3FBA] =	sst s10  }
0x35: {  	s10 =	sld [smem:$0x3FB9];
	_ =	sdelay $0x3  }
0x36: {  	p1 =	seq.s32 s10, $0x1;
	s10 =	sld [smem:$0x3FBA];
	_ =	sdelay $0x3  }
0x37: {  	[smem:$0x3FBA] =	sst s10  }
0x38: {  	s10 =	sld [smem:$0x3FBB]  }
0x39: {  	_ = 	snop;
	(pc) =	sbr.ind lr, $3  }
0x3a: {  	_ = 	snop  }
0x3b: {  	_ = 	snop  }
0x3c: {  	p2 =	seq.s32 s10, $0x1;
	s10 =	sld [smem:$0x3FBA]  }
0x3d: {  	_ =	shalt  }
0x3e: {  	_ =	shalt  }
0x3f: {  	_ =	shalt  }
0x40: {  	_ =	shalt  }
0x41: {  	_ =	shalt  }
0x42: {  	_ =	shalt  }
0x43: {  	_ =	shalt  }
0x44: {  	_ =	shalt  }
0x45: {  	_ =	shalt  }
0x46: {  	_ =	shalt  }
0x47: {  	_ =	shalt  }
0x48: {  	_ =	shalt  }
0x49: {  	_ =	shalt  }
0x4a: {  	_ =	shalt  }
0x4b: {  	_ =	shalt  }
0x4c: {  	_ =	shalt  }
0x4d: {  	_ =	shalt  }
0x4e: {  	_ =	shalt  }
0x4f: {  	_ =	shalt  }
0x50: {  	_ =	shalt  }
0x51: {  	_ =	shalt  }
0x52: {  	_ =	shalt  }
0x53: {  	_ =	shalt  }
0x54: {  	_ =	shalt  }
0x55: {  	_ =	shalt  }
0x56: {  	_ =	shalt  }
0x57: {  	_ =	shalt  }
0x58: {  	_ =	shalt  }
0x59: {  	_ =	shalt  }
0x5a: {  	_ =	shalt  }
0x5b: {  	_ =	shalt  }
0x5c: {  	_ =	shalt  }
0x5d: {  	_ =	shalt  }
0x5e: {  	_ =	shalt  }
0x5f: {  	_ =	shalt  }
0x60: {  	_ =	shalt  }
0x61: {  	_ =	shalt  }
0x62: {  	_ =	shalt  }
0x63: {  	_ =	shalt  }
0x64: {  	_ =	shalt  }
0x65: {  	_ =	shalt  }
0x66: {  	_ =	shalt  }
0x67: {  	_ =	shalt  }
0x68: {  	_ =	shalt  }
0x69: {  	_ =	shalt  }
0x6a: {  	_ =	shalt  }
0x6b: {  	_ =	shalt  }
0x6c: {  	_ =	shalt  }
0x6d: {  	_ =	shalt  }
0x6e: {  	_ =	shalt  }
0x6f: {  	_ =	shalt  }
0x70: {  	_ =	shalt  }
0x71: {  	_ =	shalt  }
0x72: {  	_ =	shalt  }
0x73: {  	_ =	shalt  }
0x74: {  	_ =	shalt  }
0x75: {  	_ =	shalt  }
0x76: {  	_ =	shalt  }
0x77: {  	_ =	shalt  }
0x78: {  	_ =	shalt  }
0x79: {  	_ =	shalt  }
0x7a: {  	_ =	shalt  }
0x7b: {  	_ =	shalt  }
0x7c: {  	_ =	shalt  }
0x7d: {  	_ =	shalt  }
0x7e: {  	_ =	shalt  }
0x7f: {  	_ =	shalt  }
0x80: {  	_ =	shalt  }
0x81: {  	_ =	shalt  }
0x82: {  	_ =	shalt  }
0x83: {  	_ =	shalt  }
0x84: {  	_ =	shalt  }
0x85: {  	_ =	shalt  }
0x86: {  	_ =	shalt  }
0x87: {  	_ =	shalt  }
.Lfunc_end0:
.L_simem_size_0:
called_computation_lowered:
.L_overlay_start_0:
0x88: {  	s2 =	sld [smem:$0x3FD9]  }
0x89: {  	s3 =	sld [smem:$0x3FFE];
	_ =	sdelay $0x1  }
0x8a: {  	s1 =	srdreg.scid  }
0x8b: {  	s0 =	sand.u32 $0x1, s1  }
0x8c: {  	s17 =	sshll.u32 s0, $0xA;
	s2 =	sadd.s32 s3, s2  }
0x8d: {  	s2 =	sadd.s32 s2, s17  }
0x8e: {  	[smem:$0x3FC6] =	sst s2  }
0x8f: {  	_ = 	snop  }
0x90: {  	s2 =	sld [smem:$0x3FD0];
	(tm) =	ssettm $0x1  }
0x91: {  	s18 =	sld [smem:$0x3FFB];
	_ =	sdelay $0x3  }
0x92: {  	_ =	strace s18  }
0x93: {  	s3 =	sld [smem:$0x3FFC];
	_ =	sdelay $0x3  }
0x94: {  	_ =	strace s3  }
0x95: {  	s3 =	sld [smem:$0x3FFD];
	_ =	sdelay $0x3  }
0x96: {  	_ =	strace s3  }
0x97: {  	_ =	strace $0x8FFFFFFF  }
0x98: {  	s19 =	sld [smem:$0x3FDB];
	_ =	sdelay $0x1  }
0x99: {  	s4 =	simm.s32 $_scs_section_size  }
0x9a: {  	s5 =	simm.s32 $_size__tile_overlayer_lowered;
	s6 =	simm.s32 $_tile_overlayer_lowered  }
0x9b: {  	s22 =	simm.s32 $0x1BFF;
	s21 =	sshll.u32 s6, $0x1;
	s3 =	sadd.s32 s4, s19  }
0x9c: {  	s7 =	simm.s32 $0x0;
	s20 =	sshll.u32 s5, $0x1;
	s5 =	sadd.s32 s21, s3  }
0x9d: {  	[timem:s7], [sflag:s22] =	dma.local [hbm:s5], s20  }
0x9e: {  	_ =	swait.ge [sflag:s22], s20  }
0x9f: {  	s4 =	ssub.s32 $0x0, s20;
	[sflag:s22] =	ssyncset.done $0x0  }
0xa0: {  	[sflag:s22] =	ssyncadd.s32 s4;
	_ =	sdelay $0x1  }
0xa1: {  	s23 =	simm.s32 $0x1B8B  }
0xa2: {  	_ =	swait.ge [sflag:s23], $0x1  }
0xa3: {  	[sflag:s23] =	ssyncset.done $0x0  }
0xa4: {  	s25 =	simm.s32 $0x1B8E;
	s24 =	sld [smem:$0x3FFE];
	[sflag:s23] =	ssyncadd.s32 $0xFFFFFFFF  }
0xa5: {  	s26 =	simm.s32 $execute0_lowered;
	[smem:$0x3FD2] =	sst s25  }
0xa6: {  	s5 =	sshll.u32 s26, $0x1;
	_ =	strace $0x80000046;
	[dreg:$0x1] =	wrdreg $0xFFFFFFFF  }
0xa7: {  	s28 =	simm.s32 $_size_execute0_lowered;
	s3 =	sadd.s32 s3, s5;
	[dreg:$0x0] =	wrdreg $0x0  }
0xa8: {  	s5 =	sshll.u32 s28, $0x1;
	[dreg:$0x2] =	wrdreg s3  }
0xa9: {  	[dreg:$0x3] =	wrdreg s5  }
0xaa: {  	[dreg:$0x4] =	wrdreg $0xC0  }
0xab: {  	_ =	task [dreg:s7], $0x5FFFF  }
0xac: {  	[dreg:$0x1] =	wrdreg $0xFFFFFFFF  }
0xad: {  	[dreg:$0x0] =	wrdreg $0x60  }
0xae: {  	[dreg:$0x2] =	wrdreg s24  }
0xaf: {  	[dreg:$0x3] =	wrdreg s2  }
0xb0: {  	[dreg:$0x4] =	wrdreg $0x9  }
0xb1: {  	_ =	task.clear_ibuf [dreg:s7], $0x5FFFF;
	_ =	strace $0x90000046  }
0xb2: {  	s29 =	simm.s32 $0x9;
	_ =	strace $0x80000048  }
0xb3: {  	_ =	swait.ge [sflag:s29], $0x1  }
0xb4: {  	[sflag:s29] =	ssyncadd.s32 $0xFFFFFFFF  }
0xb5: {  	_ =	strace $0x90000048  }
0xb6: {  	_ =	sfence  }
0xb7: {  	s30 =	sld [smem:$0x0];
	_ =	sdelay $0x2  }
0xb8: {  	s31 =	sshll.u32 s1, $0xD;
	s1 =	sshrl.u32 s1, $0x2  }
0xb9: {  	s3 =	sand.u32 $0x4000, s31;
	s1 =	sadd.s32 s1, s30  }
0xba: {  	s0 =	sor.u32 s3, s0;
	s1 =	sshll.u32 s1, $0x11  }
0xbb: {  	s0 =	sor.u32 s1, s0  }
0xbc: {  	s0 =	sadd.s32 $0x8F2B, s0  }
0xbd: {  	[sflag:s0] =	ssyncadd.remote.s32 $0x1  }
0xbe: {  	_ =	sfence.sel $0xFFFF  }
0xbf: {  	[dreg:$0x0] =	wrdreg $0xFFFFFFFF;
	(pc) =	sbr.abs _section_cstart, $3  }
0xc0: {  	[dreg:$0x1] =	wrdreg $0xFFFFFFFF  }
0xc1: {  	_ =	task.clear_ibuf [dreg:s7], $0x2FFFF;
	_ =	strace $0x9FFFFFFF  }
0xc2: {  	(tm) =	ssettm $0x7FFFFFFF  }
0xc3: {  	_ =	shalt  }
tec
execute0_lowered:
.L_overlay_start_1:
0x0: {  	(tag) =	ssettag $0x1  }
0x1: {  	s0 =	srdreg.scid;
	s1 =	rddreg [dreg:$0x0]  }
0x2: {  	s2 =	stileid.u32;
	s5 =	rddreg [dreg:$0x1];
	s8 =	simm.s32 $0x1000  }
0x3: {  	s9 =	simm.s32 $0x2;
	s10 =	simm.s32 $0x1900;
	s20 =	simm.s32 $0x1100  }
0x4: {  	s21 =	simm.s32 $0x1180;
	s22 =	simm.s32 $0x1200;
	s23 =	simm.s32 $0x1280  }
0x5: {  	s24 =	simm.s32 $0x1300;
	s25 =	simm.s32 $0x1380;
	s28 =	simm.s32 $0x1480  }
0x6: {  	s29 =	simm.s32 $0x1500;
	s30 =	simm.s32 $0x1580;
	s31 =	simm.s32 $0x1600  }
0x7: {  	s11 =	simm.s32 $0x1780;
	s12 =	simm.s32 $0x1800;
	s13 =	simm.s32 $0x1880  }
0x8: {  	s14 =	simm.s32 $0x1;
	s15 =	simm.s32 $0x3;
	s16 =	simm.s32 $0x0  }
0x9: {  	s0 =	sand.u32 $0x1, s0;
	s3 =	sshll.u32 s2, $0x8;
	s2 =	simm.s32 $0x0  }
0xa: {  	s4 =	sshll.u32 s0, $0x7;
	[smem:$0x7FF] =	sst s2;
	s0 =	ssub.s32 $0x2, s0  }
0xb: {  	s4 =	sor.u32 s4, s3;
	_ =	strace $0x80000047;
	s7 =	sshrl.u32 s0, $0x1  }
0xc: {  	s3 =	sshrl.u32 s4, $0x3;
	s0 =	ssub.s32 s0, s7;
	s26 =	sshll.u32 s4, $0x3  }
0xd: {  	s7 =	simm.s32 $0x80;
	s6 =	sadd.s32 s3, s1;
	s3 =	sadd.s32 $0x187000, s1  }
0xe: {  	s5 =	sadd.s32 s5, s26;
	s26 =	simm.s32 $0x1400;
	s1 =	simm.s32 $0x1680  }
0xf: {  	v0 =	vimm.f32 $0.0e+00;
	s4 =	sadd.s32 $0x600, s6;
	s6 =	smax.u32 s0, $0x1;
	s0 =	simm.s32 $0x1700  }
.LBB2_1:
0x10: {  	[tilespmem:s2], [sflag:$0x2] =	stream.strided.gather [hbm4b:s4+s7], $0x1900, s8, s7, $0x38;
	[tilespmem:$0x3900] =	vst v63  }
0x11: {  	s18 =	simm.s32 $0x100;
	s17 =	simm.s32 $0x0  }
.LBB2_2:
0x12: {  	p0 =	sne.s32 s18, $0x7F00;
	[tilespmem:s17+$0x1930] =	vst v0;
	s19 =	smov.u32 s18;
	s18 =	sadd.s32 $0x100, s18  }
.Ltmp0:
0x13: {  	[tilespmem:s17+$0x1920] =	vst v0;
	(pc) =	sbr.rel @p0 .LBB2_2-.Ltmp0, $3  }
0x14: {  	[tilespmem:s17+$0x1900] =	vst v0  }
0x15: {  	[tilespmem:s17+$0x1910] =	vst v0;
	_ =	sdelay $0x1  }
0x16: {  	s17 =	sshra.s32 s19, $0x2  }
0x17: {  	[tilespmem:s17+$0x1930] =	vst v0  }
0x18: {  	[tilespmem:s17+$0x1920] =	vst v0  }
0x19: {  	[tilespmem:s17+$0x1900] =	vst v0  }
0x1a: {  	[tilespmem:s17+$0x1910] =	vst v0  }
0x1b: {  	_ =	swait.ge [sflag:s9], $0x1900  }
0x1c: {  	[sflag:s9] =	ssyncset.done $0x0  }
0x1d: {  	[sflag:s9] =	ssyncadd.s32 $0xFFFFE700  }
0x1e: {  	[tilespmem:s10], [sflag:$0x1] =	stream.indirect.gather.add.f32 [hbm:s3], $0x40, s2, s7, $0xb8;
	[tilespmem:$0x3900] =	vst v63  }
0x1f: {  	_ = 	snop  }
0x20: {  	[tilespmem:s10], [sflag:$0x1] =	stream.indirect.gather.add.f32 [hbm:s3], $0x40, s7, s7, $0xb8;
	[tilespmem:$0x3900] =	vst v63  }
0x21: {  	s19 =	simm.s32 $0x100  }
0x22: {  	[tilespmem:s10], [sflag:$0x1] =	stream.indirect.gather.add.f32 [hbm:s3], $0x40, s19, s7, $0xb8;
	[tilespmem:$0x3900] =	vst v63  }
0x23: {  	s18 =	simm.s32 $0x180  }
0x24: {  	[tilespmem:s10], [sflag:$0x1] =	stream.indirect.gather.add.f32 [hbm:s3], $0x40, s18, s7, $0xb8;
	[tilespmem:$0x3900] =	vst v63  }
0x25: {  	s19 =	simm.s32 $0x200  }
0x26: {  	[tilespmem:s10], [sflag:$0x1] =	stream.indirect.gather.add.f32 [hbm:s3], $0x40, s19, s7, $0xb8;
	[tilespmem:$0x3900] =	vst v63  }
0x27: {  	s18 =	simm.s32 $0x280  }
0x28: {  	[tilespmem:s10], [sflag:$0x1] =	stream.indirect.gather.add.f32 [hbm:s3], $0x40, s18, s7, $0xb8;
	[tilespmem:$0x3900] =	vst v63  }
0x29: {  	s19 =	simm.s32 $0x300  }
0x2a: {  	[tilespmem:s10], [sflag:$0x1] =	stream.indirect.gather.add.f32 [hbm:s3], $0x40, s19, s7, $0xb8;
	[tilespmem:$0x3900] =	vst v63  }
0x2b: {  	s18 =	simm.s32 $0x380  }
0x2c: {  	[tilespmem:s10], [sflag:$0x1] =	stream.indirect.gather.add.f32 [hbm:s3], $0x40, s18, s7, $0xb8;
	[tilespmem:$0x3900] =	vst v63  }
0x2d: {  	s19 =	simm.s32 $0x400  }
0x2e: {  	[tilespmem:s10], [sflag:$0x1] =	stream.indirect.gather.add.f32 [hbm:s3], $0x40, s19, s7, $0xb8;
	[tilespmem:$0x3900] =	vst v63  }
0x2f: {  	s18 =	simm.s32 $0x480  }
0x30: {  	[tilespmem:s10], [sflag:$0x1] =	stream.indirect.gather.add.f32 [hbm:s3], $0x40, s18, s7, $0xb8;
	[tilespmem:$0x3900] =	vst v63  }
0x31: {  	s19 =	simm.s32 $0x500  }
0x32: {  	[tilespmem:s10], [sflag:$0x1] =	stream.indirect.gather.add.f32 [hbm:s3], $0x40, s19, s7, $0xb8;
	[tilespmem:$0x3900] =	vst v63  }
0x33: {  	s18 =	simm.s32 $0x580  }
0x34: {  	[tilespmem:s10], [sflag:$0x1] =	stream.indirect.gather.add.f32 [hbm:s3], $0x40, s18, s7, $0xb8;
	[tilespmem:$0x3900] =	vst v63  }
0x35: {  	s19 =	simm.s32 $0x600  }
0x36: {  	[tilespmem:s10], [sflag:$0x1] =	stream.indirect.gather.add.f32 [hbm:s3], $0x40, s19, s7, $0xb8;
	[tilespmem:$0x3900] =	vst v63  }
0x37: {  	s18 =	simm.s32 $0x680  }
0x38: {  	[tilespmem:s10], [sflag:$0x1] =	stream.indirect.gather.add.f32 [hbm:s3], $0x40, s18, s7, $0xb8;
	[tilespmem:$0x3900] =	vst v63  }
0x39: {  	s19 =	simm.s32 $0x700  }
0x3a: {  	[tilespmem:s10], [sflag:$0x1] =	stream.indirect.gather.add.f32 [hbm:s3], $0x40, s19, s7, $0xb8;
	[tilespmem:$0x3900] =	vst v63  }
0x3b: {  	s18 =	simm.s32 $0x780  }
0x3c: {  	[tilespmem:s10], [sflag:$0x1] =	stream.indirect.gather.add.f32 [hbm:s3], $0x40, s18, s7, $0xb8;
	[tilespmem:$0x3900] =	vst v63  }
0x3d: {  	s19 =	simm.s32 $0x800  }
0x3e: {  	[tilespmem:s10], [sflag:$0x1] =	stream.indirect.gather.add.f32 [hbm:s3], $0x40, s19, s7, $0xb8;
	[tilespmem:$0x3900] =	vst v63  }
0x3f: {  	s18 =	simm.s32 $0x880  }
0x40: {  	[tilespmem:s10], [sflag:$0x1] =	stream.indirect.gather.add.f32 [hbm:s3], $0x40, s18, s7, $0xb8;
	[tilespmem:$0x3900] =	vst v63  }
0x41: {  	s19 =	simm.s32 $0x900  }
0x42: {  	[tilespmem:s10], [sflag:$0x1] =	stream.indirect.gather.add.f32 [hbm:s3], $0x40, s19, s7, $0xb8;
	[tilespmem:$0x3900] =	vst v63  }
0x43: {  	s18 =	simm.s32 $0x980  }
0x44: {  	[tilespmem:s10], [sflag:$0x1] =	stream.indirect.gather.add.f32 [hbm:s3], $0x40, s18, s7, $0xb8;
	[tilespmem:$0x3900] =	vst v63  }
0x45: {  	s19 =	simm.s32 $0xA00  }
0x46: {  	[tilespmem:s10], [sflag:$0x1] =	stream.indirect.gather.add.f32 [hbm:s3], $0x40, s19, s7, $0xb8;
	[tilespmem:$0x3900] =	vst v63  }
0x47: {  	s18 =	simm.s32 $0xA80  }
0x48: {  	[tilespmem:s10], [sflag:$0x1] =	stream.indirect.gather.add.f32 [hbm:s3], $0x40, s18, s7, $0xb8;
	[tilespmem:$0x3900] =	vst v63  }
0x49: {  	s19 =	simm.s32 $0xB00  }
0x4a: {  	[tilespmem:s10], [sflag:$0x1] =	stream.indirect.gather.add.f32 [hbm:s3], $0x40, s19, s7, $0xb8;
	[tilespmem:$0x3900] =	vst v63  }
0x4b: {  	s18 =	simm.s32 $0xB80  }
0x4c: {  	[tilespmem:s10], [sflag:$0x1] =	stream.indirect.gather.add.f32 [hbm:s3], $0x40, s18, s7, $0xb8;
	[tilespmem:$0x3900] =	vst v63  }
0x4d: {  	s19 =	simm.s32 $0xC00  }
0x4e: {  	[tilespmem:s10], [sflag:$0x1] =	stream.indirect.gather.add.f32 [hbm:s3], $0x40, s19, s7, $0xb8;
	[tilespmem:$0x3900] =	vst v63  }
0x4f: {  	s18 =	simm.s32 $0xC80  }
0x50: {  	[tilespmem:s10], [sflag:$0x1] =	stream.indirect.gather.add.f32 [hbm:s3], $0x40, s18, s7, $0xb8;
	[tilespmem:$0x3900] =	vst v63  }
0x51: {  	s19 =	simm.s32 $0xD00  }
0x52: {  	[tilespmem:s10], [sflag:$0x1] =	stream.indirect.gather.add.f32 [hbm:s3], $0x40, s19, s7, $0xb8;
	[tilespmem:$0x3900] =	vst v63  }
0x53: {  	s18 =	simm.s32 $0xD80  }
0x54: {  	[tilespmem:s10], [sflag:$0x1] =	stream.indirect.gather.add.f32 [hbm:s3], $0x40, s18, s7, $0xb8;
	[tilespmem:$0x3900] =	vst v63  }
0x55: {  	s19 =	simm.s32 $0xE00  }
0x56: {  	[tilespmem:s10], [sflag:$0x1] =	stream.indirect.gather.add.f32 [hbm:s3], $0x40, s19, s7, $0xb8;
	[tilespmem:$0x3900] =	vst v63  }
0x57: {  	s18 =	simm.s32 $0xE80  }
0x58: {  	[tilespmem:s10], [sflag:$0x1] =	stream.indirect.gather.add.f32 [hbm:s3], $0x40, s18, s7, $0xb8;
	[tilespmem:$0x3900] =	vst v63  }
0x59: {  	s19 =	simm.s32 $0xF00  }
0x5a: {  	[tilespmem:s10], [sflag:$0x1] =	stream.indirect.gather.add.f32 [hbm:s3], $0x40, s19, s7, $0xb8;
	[tilespmem:$0x3900] =	vst v63  }
0x5b: {  	s18 =	simm.s32 $0xF80  }
0x5c: {  	[tilespmem:s10], [sflag:$0x1] =	stream.indirect.gather.add.f32 [hbm:s3], $0x40, s18, s7, $0xb8;
	[tilespmem:$0x3900] =	vst v63  }
0x5d: {  	_ = 	snop  }
0x5e: {  	[tilespmem:s10], [sflag:$0x1] =	stream.indirect.gather.add.f32 [hbm:s3], $0x40, s8, s7, $0xb8;
	[tilespmem:$0x3900] =	vst v63  }
0x5f: {  	s19 =	simm.s32 $0x1080  }
0x60: {  	[tilespmem:s10], [sflag:$0x1] =	stream.indirect.gather.add.f32 [hbm:s3], $0x40, s19, s7, $0xb8;
	[tilespmem:$0x3900] =	vst v63  }
0x61: {  	_ = 	snop  }
0x62: {  	[tilespmem:s10], [sflag:$0x1] =	stream.indirect.gather.add.f32 [hbm:s3], $0x40, s20, s7, $0xb8;
	[tilespmem:$0x3900] =	vst v63  }
0x63: {  	_ = 	snop  }
0x64: {  	[tilespmem:s10], [sflag:$0x1] =	stream.indirect.gather.add.f32 [hbm:s3], $0x40, s21, s7, $0xb8;
	[tilespmem:$0x3900] =	vst v63  }
0x65: {  	_ = 	snop  }
0x66: {  	[tilespmem:s10], [sflag:$0x1] =	stream.indirect.gather.add.f32 [hbm:s3], $0x40, s22, s7, $0xb8;
	[tilespmem:$0x3900] =	vst v63  }
0x67: {  	_ = 	snop  }
0x68: {  	[tilespmem:s10], [sflag:$0x1] =	stream.indirect.gather.add.f32 [hbm:s3], $0x40, s23, s7, $0xb8;
	[tilespmem:$0x3900] =	vst v63  }
0x69: {  	_ = 	snop  }
0x6a: {  	[tilespmem:s10], [sflag:$0x1] =	stream.indirect.gather.add.f32 [hbm:s3], $0x40, s24, s7, $0xb8;
	[tilespmem:$0x3900] =	vst v63  }
0x6b: {  	_ = 	snop  }
0x6c: {  	[tilespmem:s10], [sflag:$0x1] =	stream.indirect.gather.add.f32 [hbm:s3], $0x40, s25, s7, $0xb8;
	[tilespmem:$0x3900] =	vst v63  }
0x6d: {  	_ = 	snop  }
0x6e: {  	[tilespmem:s10], [sflag:$0x1] =	stream.indirect.gather.add.f32 [hbm:s3], $0x40, s26, s7, $0xb8;
	[tilespmem:$0x3900] =	vst v63  }
0x6f: {  	_ = 	snop  }
0x70: {  	[tilespmem:s10], [sflag:$0x1] =	stream.indirect.gather.add.f32 [hbm:s3], $0x40, s28, s7, $0xb8;
	[tilespmem:$0x3900] =	vst v63  }
0x71: {  	_ = 	snop  }
0x72: {  	[tilespmem:s10], [sflag:$0x1] =	stream.indirect.gather.add.f32 [hbm:s3], $0x40, s29, s7, $0xb8;
	[tilespmem:$0x3900] =	vst v63  }
0x73: {  	_ = 	snop  }
0x74: {  	[tilespmem:s10], [sflag:$0x1] =	stream.indirect.gather.add.f32 [hbm:s3], $0x40, s30, s7, $0xb8;
	[tilespmem:$0x3900] =	vst v63  }
0x75: {  	_ = 	snop  }
0x76: {  	[tilespmem:s10], [sflag:$0x1] =	stream.indirect.gather.add.f32 [hbm:s3], $0x40, s31, s7, $0xb8;
	[tilespmem:$0x3900] =	vst v63  }
0x77: {  	_ = 	snop  }
0x78: {  	[tilespmem:s10], [sflag:$0x1] =	stream.indirect.gather.add.f32 [hbm:s3], $0x40, s1, s7, $0xb8;
	[tilespmem:$0x3900] =	vst v63  }
0x79: {  	_ = 	snop  }
0x7a: {  	[tilespmem:s10], [sflag:$0x1] =	stream.indirect.gather.add.f32 [hbm:s3], $0x40, s0, s7, $0xb8;
	[tilespmem:$0x3900] =	vst v63  }
0x7b: {  	_ = 	snop  }
0x7c: {  	[tilespmem:s10], [sflag:$0x1] =	stream.indirect.gather.add.f32 [hbm:s3], $0x40, s11, s7, $0xb8;
	[tilespmem:$0x3900] =	vst v63  }
0x7d: {  	_ = 	snop  }
0x7e: {  	[tilespmem:s10], [sflag:$0x1] =	stream.indirect.gather.add.f32 [hbm:s3], $0x40, s12, s7, $0xb8;
	[tilespmem:$0x3900] =	vst v63  }
0x7f: {  	_ = 	snop  }
0x80: {  	[tilespmem:s10], [sflag:$0x1] =	stream.indirect.gather.add.f32 [hbm:s3], $0x40, s13, s7, $0xb8;
	[tilespmem:$0x3900] =	vst v63  }
0x81: {  	_ =	swait.ge [sflag:s14], $0x2000  }
0x82: {  	[sflag:s14] =	ssyncset.done $0x0  }
0x83: {  	[sflag:s14] =	ssyncadd.s32 $0xFFFFE000  }
0x84: {  	_ =	swait.ge [sflag:s14], $0x2000  }
0x85: {  	[sflag:s14] =	ssyncset.done $0x0  }
0x86: {  	[sflag:s14] =	ssyncadd.s32 $0xFFFFE000  }
0x87: {  	_ =	swait.ge [sflag:s14], $0x2000  }
0x88: {  	[sflag:s14] =	ssyncset.done $0x0  }
0x89: {  	[sflag:s14] =	ssyncadd.s32 $0xFFFFE000  }
0x8a: {  	_ =	swait.ge [sflag:s14], $0x2000  }
0x8b: {  	[sflag:s14] =	ssyncset.done $0x0  }
0x8c: {  	[sflag:s14] =	ssyncadd.s32 $0xFFFFE000  }
0x8d: {  	_ =	swait.ge [sflag:s14], $0x2000  }
0x8e: {  	[sflag:s14] =	ssyncset.done $0x0  }
0x8f: {  	[sflag:s14] =	ssyncadd.s32 $0xFFFFE000  }
0x90: {  	_ =	swait.ge [sflag:s14], $0x2000  }
0x91: {  	[sflag:s14] =	ssyncset.done $0x0  }
0x92: {  	[sflag:s14] =	ssyncadd.s32 $0xFFFFE000  }
0x93: {  	_ =	swait.ge [sflag:s14], $0x2000  }
0x94: {  	[sflag:s14] =	ssyncset.done $0x0  }
0x95: {  	[sflag:s14] =	ssyncadd.s32 $0xFFFFE000  }
0x96: {  	_ =	swait.ge [sflag:s14], $0x2000  }
0x97: {  	[sflag:s14] =	ssyncset.done $0x0  }
0x98: {  	[sflag:s14] =	ssyncadd.s32 $0xFFFFE000  }
0x99: {  	_ =	swait.ge [sflag:s14], $0x2000  }
0x9a: {  	[sflag:s14] =	ssyncset.done $0x0  }
0x9b: {  	[sflag:s14] =	ssyncadd.s32 $0xFFFFE000  }
0x9c: {  	_ =	swait.ge [sflag:s14], $0x2000  }
0x9d: {  	[sflag:s14] =	ssyncset.done $0x0  }
0x9e: {  	[sflag:s14] =	ssyncadd.s32 $0xFFFFE000  }
0x9f: {  	_ =	swait.ge [sflag:s14], $0x2000  }
0xa0: {  	[sflag:s14] =	ssyncset.done $0x0  }
0xa1: {  	[sflag:s14] =	ssyncadd.s32 $0xFFFFE000  }
0xa2: {  	_ =	swait.ge [sflag:s14], $0x2000  }
0xa3: {  	[sflag:s14] =	ssyncset.done $0x0  }
0xa4: {  	[sflag:s14] =	ssyncadd.s32 $0xFFFFE000  }
0xa5: {  	_ =	swait.ge [sflag:s14], $0x2000  }
0xa6: {  	[sflag:s14] =	ssyncset.done $0x0  }
0xa7: {  	[sflag:s14] =	ssyncadd.s32 $0xFFFFE000  }
0xa8: {  	_ =	swait.ge [sflag:s14], $0x2000  }
0xa9: {  	[sflag:s14] =	ssyncset.done $0x0  }
0xaa: {  	[sflag:s14] =	ssyncadd.s32 $0xFFFFE000  }
0xab: {  	_ =	swait.ge [sflag:s14], $0x2000  }
0xac: {  	[sflag:s14] =	ssyncset.done $0x0  }
0xad: {  	[sflag:s14] =	ssyncadd.s32 $0xFFFFE000  }
0xae: {  	_ =	swait.ge [sflag:s14], $0x2000  }
0xaf: {  	[sflag:s14] =	ssyncset.done $0x0  }
0xb0: {  	[sflag:s14] =	ssyncadd.s32 $0xFFFFE000  }
0xb1: {  	_ =	swait.ge [sflag:s14], $0x2000  }
0xb2: {  	[sflag:s14] =	ssyncset.done $0x0  }
0xb3: {  	[sflag:s14] =	ssyncadd.s32 $0xFFFFE000  }
0xb4: {  	_ =	swait.ge [sflag:s14], $0x2000  }
0xb5: {  	[sflag:s14] =	ssyncset.done $0x0  }
0xb6: {  	[sflag:s14] =	ssyncadd.s32 $0xFFFFE000  }
0xb7: {  	_ =	swait.ge [sflag:s14], $0x2000  }
0xb8: {  	[sflag:s14] =	ssyncset.done $0x0  }
0xb9: {  	[sflag:s14] =	ssyncadd.s32 $0xFFFFE000  }
0xba: {  	_ =	swait.ge [sflag:s14], $0x2000  }
0xbb: {  	[sflag:s14] =	ssyncset.done $0x0  }
0xbc: {  	[sflag:s14] =	ssyncadd.s32 $0xFFFFE000  }
0xbd: {  	_ =	swait.ge [sflag:s14], $0x2000  }
0xbe: {  	[sflag:s14] =	ssyncset.done $0x0  }
0xbf: {  	[sflag:s14] =	ssyncadd.s32 $0xFFFFE000  }
0xc0: {  	_ =	swait.ge [sflag:s14], $0x2000  }
0xc1: {  	[sflag:s14] =	ssyncset.done $0x0  }
0xc2: {  	[sflag:s14] =	ssyncadd.s32 $0xFFFFE000  }
0xc3: {  	_ =	swait.ge [sflag:s14], $0x2000  }
0xc4: {  	[sflag:s14] =	ssyncset.done $0x0  }
0xc5: {  	[sflag:s14] =	ssyncadd.s32 $0xFFFFE000  }
0xc6: {  	_ =	swait.ge [sflag:s14], $0x2000  }
0xc7: {  	[sflag:s14] =	ssyncset.done $0x0  }
0xc8: {  	[sflag:s14] =	ssyncadd.s32 $0xFFFFE000  }
0xc9: {  	_ =	swait.ge [sflag:s14], $0x2000  }
0xca: {  	[sflag:s14] =	ssyncset.done $0x0  }
0xcb: {  	[sflag:s14] =	ssyncadd.s32 $0xFFFFE000  }
0xcc: {  	_ =	swait.ge [sflag:s14], $0x2000  }
0xcd: {  	[sflag:s14] =	ssyncset.done $0x0  }
0xce: {  	[sflag:s14] =	ssyncadd.s32 $0xFFFFE000  }
0xcf: {  	_ =	swait.ge [sflag:s14], $0x2000  }
0xd0: {  	[sflag:s14] =	ssyncset.done $0x0  }
0xd1: {  	[sflag:s14] =	ssyncadd.s32 $0xFFFFE000  }
0xd2: {  	_ =	swait.ge [sflag:s14], $0x2000  }
0xd3: {  	[sflag:s14] =	ssyncset.done $0x0  }
0xd4: {  	[sflag:s14] =	ssyncadd.s32 $0xFFFFE000  }
0xd5: {  	_ =	swait.ge [sflag:s14], $0x2000  }
0xd6: {  	[sflag:s14] =	ssyncset.done $0x0  }
0xd7: {  	[sflag:s14] =	ssyncadd.s32 $0xFFFFE000  }
0xd8: {  	_ =	swait.ge [sflag:s14], $0x2000  }
0xd9: {  	[sflag:s14] =	ssyncset.done $0x0  }
0xda: {  	[sflag:s14] =	ssyncadd.s32 $0xFFFFE000  }
0xdb: {  	_ =	swait.ge [sflag:s14], $0x2000  }
0xdc: {  	[sflag:s14] =	ssyncset.done $0x0  }
0xdd: {  	[sflag:s14] =	ssyncadd.s32 $0xFFFFE000  }
0xde: {  	_ =	swait.ge [sflag:s14], $0x2000  }
0xdf: {  	[sflag:s14] =	ssyncset.done $0x0  }
0xe0: {  	[sflag:s14] =	ssyncadd.s32 $0xFFFFE000  }
0xe1: {  	_ =	swait.ge [sflag:s14], $0x2000  }
0xe2: {  	[sflag:s14] =	ssyncset.done $0x0  }
0xe3: {  	[sflag:s14] =	ssyncadd.s32 $0xFFFFE000  }
0xe4: {  	_ =	swait.ge [sflag:s14], $0x2000  }
0xe5: {  	[sflag:s14] =	ssyncset.done $0x0  }
0xe6: {  	[sflag:s14] =	ssyncadd.s32 $0xFFFFE000  }
0xe7: {  	_ =	swait.ge [sflag:s14], $0x2000  }
0xe8: {  	[sflag:s14] =	ssyncset.done $0x0  }
0xe9: {  	[sflag:s14] =	ssyncadd.s32 $0xFFFFE000  }
0xea: {  	_ =	swait.ge [sflag:s14], $0x2000  }
0xeb: {  	[sflag:s14] =	ssyncset.done $0x0  }
0xec: {  	[sflag:s14] =	ssyncadd.s32 $0xFFFFE000  }
0xed: {  	_ =	swait.ge [sflag:s14], $0x2000  }
0xee: {  	[sflag:s14] =	ssyncset.done $0x0  }
0xef: {  	[sflag:s14] =	ssyncadd.s32 $0xFFFFE000  }
0xf0: {  	_ =	swait.ge [sflag:s14], $0x2000  }
0xf1: {  	[sflag:s14] =	ssyncset.done $0x0  }
0xf2: {  	[sflag:s14] =	ssyncadd.s32 $0xFFFFE000  }
0xf3: {  	_ =	swait.ge [sflag:s14], $0x2000  }
0xf4: {  	[sflag:s14] =	ssyncset.done $0x0  }
0xf5: {  	[sflag:s14] =	ssyncadd.s32 $0xFFFFE000  }
0xf6: {  	_ =	swait.ge [sflag:s14], $0x2000  }
0xf7: {  	[sflag:s14] =	ssyncset.done $0x0  }
0xf8: {  	[sflag:s14] =	ssyncadd.s32 $0xFFFFE000  }
0xf9: {  	_ =	swait.ge [sflag:s14], $0x2000  }
0xfa: {  	[sflag:s14] =	ssyncset.done $0x0  }
0xfb: {  	[sflag:s14] =	ssyncadd.s32 $0xFFFFE000  }
0xfc: {  	_ =	swait.ge [sflag:s14], $0x2000  }
0xfd: {  	[sflag:s14] =	ssyncset.done $0x0  }
0xfe: {  	[sflag:s14] =	ssyncadd.s32 $0xFFFFE000  }
0xff: {  	_ =	swait.ge [sflag:s14], $0x2000  }
0x100: {  	[sflag:s14] =	ssyncset.done $0x0  }
0x101: {  	[sflag:s14] =	ssyncadd.s32 $0xFFFFE000  }
0x102: {  	_ =	swait.ge [sflag:s14], $0x2000  }
0x103: {  	[sflag:s14] =	ssyncset.done $0x0  }
0x104: {  	[sflag:s14] =	ssyncadd.s32 $0xFFFFE000  }
0x105: {  	_ =	swait.ge [sflag:s14], $0x2000  }
0x106: {  	[sflag:s14] =	ssyncset.done $0x0  }
0x107: {  	[sflag:s14] =	ssyncadd.s32 $0xFFFFE000  }
0x108: {  	_ =	swait.ge [sflag:s14], $0x2000  }
0x109: {  	[sflag:s14] =	ssyncset.done $0x0  }
0x10a: {  	[sflag:s14] =	ssyncadd.s32 $0xFFFFE000  }
0x10b: {  	_ =	swait.ge [sflag:s14], $0x2000  }
0x10c: {  	[sflag:s14] =	ssyncset.done $0x0  }
0x10d: {  	[sflag:s14] =	ssyncadd.s32 $0xFFFFE000  }
0x10e: {  	_ =	swait.ge [sflag:s14], $0x2000  }
0x10f: {  	[sflag:s14] =	ssyncset.done $0x0  }
0x110: {  	[sflag:s14] =	ssyncadd.s32 $0xFFFFE000  }
0x111: {  	_ =	swait.ge [sflag:s14], $0x2000  }
0x112: {  	[sflag:s14] =	ssyncset.done $0x0  }
0x113: {  	[sflag:s14] =	ssyncadd.s32 $0xFFFFE000  }
0x114: {  	s16 =	sadd.s32 $0x1, s16;
	_ =	swait.ge [sflag:s14], $0x2000  }
0x115: {  	p0 =	sne.s32 s16, s6;
	[sflag:s14] =	ssyncset.done $0x0  }
.Ltmp1:
0x116: {  	[sflag:s14] =	ssyncadd.s32 $0xFFFFE000;
	(pc) =	sbr.rel @p0 .LBB2_1-.Ltmp1, $4  }
0x117: {  	[hbm4b:s5+s2] =	stream.linear.scatter [tilespmem:s10], [sflag:$0x3], $0x2000, $0x38;
	[tilespmem:$0x3900] =	vst v63  }
0x118: {  	_ =	swait.ge [sflag:s15], $0x2000  }
0x119: {  	[sflag:s15] =	ssyncset.done $0x0  }
0x11a: {  	[sflag:s15] =	ssyncadd.s32 $0xFFFFE000  }
0x11b: {  	_ =	sfence.sel $0x180000  }
0x11c: {  	[bflag:$0x0] =	sbarrier.arrive $0xFFFF  }
0x11d: {  	_ =	strace $0x90000047  }
0x11e: {  	s0 =	stileid.u32;
	[bflag:$0x2] =	sbarrier.arrive $0xFFFF  }
0x11f: {  	p0 =	sne.s32 s0, $0x0;
	s0 =	rddreg [dreg:$0x2]  }
0x120: {  	s0 =	sadd.s32 @!p0 $0x100000, s0  }
0x121: {  	[sflag:s0] =	ssyncadd.tile.s32 @!p0 $0x1;
	_ =	shalt  }
.Lfunc_end2:
_tile_overlayer_lowered:
.L_overlay_start_2:
0x122: {  	(tag) =	ssettag $0x2  }
0x123: {  	s0 =	rddreg [dreg:$0x0];
	s2 =	stileid.u32  }
0x124: {  	s1 =	rddreg [dreg:$0x1];
	p0 =	sne.s32 s2, $0x0  }
0x125: {  	s3 =	rddreg [dreg:$0x2];
	[bflag:$0x3] =	sbarrier.arrive $0xFFFF;
	s2 =	simm.s32 @!p0 $0x1C03  }
0x126: {  	[timem:s3], [sflag:s2] =	dma.local @!p0 [hbm:s0], s1  }
0x127: {  	s0 =	simm.s32 @!p0 $0x3  }
0x128: {  	_ =	swait.ge @!p0 [sflag:s0], s1  }
0x129: {  	s1 =	ssub.s32 @!p0 $0x0, s1;
	[sflag:s0] =	ssyncset.done @!p0 $0x0  }
0x12a: {  	[sflag:s0] =	ssyncadd.s32 @!p0 s1  }
0x12b: {  	[bflag:$0x3] =	sbarrier.arrive $0xFFFF  }
0x12c: {  	_ =	shalt  }

</sc_bundles>
